<compile_context>
chip_gen: v7x
topology: tpu7x:2x2x1
jax: 0.10.2.dev20260603
libtpu: 0.0.44.dev20260713+nightly
codegen_flags: <defaults>
</compile_context>

<pallas_src>
import functools

import jax
import jax.numpy as jnp
from jax import lax
from jax.experimental import pallas as pl
from jax.experimental.pallas import tpu as pltpu
from jax.experimental.pallas import tpu_sc as plsc

N = 10000
C = 128
E = 320000
NC = 2
NS = 16
NW = NC * NS
EPW = E // NW
CH = 128
NCH = 80
PAD = NCH * CH - EPW
NPAD = 10112
RPS = NPAD // NS
NHALF = NCH // 2

@functools.cache
def _sc_kernels():
    mesh = plsc.VectorSubcoreMesh(core_axis_name="c", subcore_axis_name="s")

    @functools.partial(
        pl.kernel,
        out_type=jax.ShapeDtypeStruct((NC * NPAD,), jnp.float32),
        mesh=mesh,
        scratch_types=[
            pltpu.VMEM((NCH, CH), jnp.int32),
            pltpu.VMEM((CH,), jnp.float32),
            pltpu.VMEM_SHARED((NPAD,), jnp.float32),
        ],
    )
    def _sc_degree(col_hbm, zeros_hbm, ones_hbm, deg_out, col_v, ones_v,
                   deg_sh):
        c = lax.axis_index("c")
        s = lax.axis_index("s")
        wid = s * NC + c

        @pl.when(s == 0)
        def _():
            pltpu.sync_copy(zeros_hbm, deg_sh)

        pltpu.sync_copy(col_hbm.at[pl.ds(wid * NCH, NCH)], col_v)
        pltpu.sync_copy(ones_hbm, ones_v)
        plsc.subcore_barrier()

        def body(j, carry):
            pltpu.sync_copy(ones_v, deg_sh.at[col_v.at[j]], add=True)
            return carry

        lax.fori_loop(0, NCH, body, 0)
        plsc.subcore_barrier()

        @pl.when(s == 0)
        def _():
            pltpu.sync_copy(deg_sh, deg_out.at[pl.ds(c * NPAD, NPAD)])

    @functools.partial(
        pl.kernel,
        out_type=jax.ShapeDtypeStruct((NC, NPAD, C), jnp.float32),
        mesh=mesh,
        scratch_types=[
            pltpu.VMEM((NHALF, CH), jnp.int32),
            pltpu.VMEM((NHALF, CH), jnp.int32),
            pltpu.VMEM((CH, C), jnp.float32),
            pltpu.VMEM((CH, C), jnp.float32),
            pltpu.VMEM_SHARED((NPAD, C), jnp.float32),
            pltpu.SemaphoreType.DMA,
            pltpu.SemaphoreType.DMA,
            pltpu.SemaphoreType.DMA,
            pltpu.SemaphoreType.DMA,
        ],
    )
    def _sc_aggregate(hs_hbm, row_hbm, col_hbm, zeros_hbm, acc_out,
                      row_v, col_v, rows0, rows1, acc_sh,
                      sem0, sem1, scb0, scb1):
        c = lax.axis_index("c")
        s = lax.axis_index("s")
        wid = s * NC + c

        dummy = hs_hbm.at[pl.ds(0, CH)]

        zdesc = pltpu.async_copy(zeros_hbm.at[pl.ds(s * RPS, RPS)],
                                 acc_sh.at[pl.ds(s * RPS, RPS)], scb0)

        for h in range(NCH // NHALF):
            pltpu.sync_copy(row_hbm.at[pl.ds(wid * NCH + h * NHALF, NHALF)],
                            row_v)
            pltpu.sync_copy(col_hbm.at[pl.ds(wid * NCH + h * NHALF, NHALF)],
                            col_v)
            if h == 0:
                zdesc.wait()
                plsc.subcore_barrier()
            pltpu.async_copy(hs_hbm.at[row_v.at[0]], rows0, sem0)
            pltpu.async_copy(hs_hbm.at[row_v.at[1]], rows1, sem1)

            def body(i, carry):
                c0 = 2 * i
                c1 = c0 + 1
                pltpu.make_async_copy(dummy, rows0, sem0).wait()
                pltpu.sync_copy(rows0, acc_sh.at[col_v.at[c0]], add=True)

                @pl.when(c0 + 2 < NHALF)
                def _():
                    pltpu.async_copy(hs_hbm.at[row_v.at[c0 + 2]], rows0, sem0)

                pltpu.make_async_copy(dummy, rows1, sem1).wait()
                pltpu.sync_copy(rows1, acc_sh.at[col_v.at[c1]], add=True)

                @pl.when(c1 + 2 < NHALF)
                def _():
                    pltpu.async_copy(hs_hbm.at[row_v.at[c1 + 2]], rows1, sem1)

                return carry

            lax.fori_loop(0, NHALF // 2, body, 0)

        plsc.subcore_barrier()

        pltpu.sync_copy(acc_sh.at[pl.ds(s * RPS, RPS)],
                        acc_out.at[c, pl.ds(s * RPS, RPS)])

    return _sc_degree, _sc_aggregate


R = 1000
G = N // R


def _dinv_of(deg_blk):
    return lax.rsqrt(deg_blk[:, 0:1] + deg_blk[:, 1:2] + 1.0)


def _tc1_body(x_ref, deg_ref, w_ref, o_ref):
    dinv = _dinv_of(deg_ref[...])
    h = jnp.dot(x_ref[...], w_ref[...], preferred_element_type=jnp.float32)
    o_ref[...] = h * dinv


_tc_matmul_scale = pl.pallas_call(
    _tc1_body,
    grid=(G,),
    in_specs=[
        pl.BlockSpec((R, C), lambda i: (i, 0)),
        pl.BlockSpec((R, 2), lambda i: (i, 0)),
        pl.BlockSpec((C, C), lambda i: (0, 0)),
    ],
    out_specs=pl.BlockSpec((R, C), lambda i: (i, 0)),
    out_shape=jax.ShapeDtypeStruct((N, C), jnp.float32),
)


def _norm_block(a0, a1, hs, dinv, b, g, be):
    t = (a0 + a1 + hs) * dinv + b
    mu = jnp.mean(t, axis=-1, keepdims=True)
    d = t - mu
    var = jnp.mean(d * d, axis=-1, keepdims=True)
    y = d * lax.rsqrt(var + 1e-5) * g + be
    return jnp.maximum(y, 0.0)


def _tc2_body(a0_ref, a1_ref, hs_ref, deg_ref, b_ref, g_ref, be_ref, w_ref,
              o_ref):
    dinv = _dinv_of(deg_ref[...])
    y = _norm_block(a0_ref[0], a1_ref[0], hs_ref[...], dinv,
                    b_ref[...], g_ref[...], be_ref[...])
    o_ref[...] = jnp.dot(y, w_ref[...],
                         preferred_element_type=jnp.float32) * dinv


_tc_norm_matmul = pl.pallas_call(
    _tc2_body,
    grid=(G,),
    in_specs=[
        pl.BlockSpec((1, R, C), lambda i: (0, i, 0)),
        pl.BlockSpec((1, R, C), lambda i: (1, i, 0)),
        pl.BlockSpec((R, C), lambda i: (i, 0)),
        pl.BlockSpec((R, 2), lambda i: (i, 0)),
        pl.BlockSpec((1, C), lambda i: (0, 0)),
        pl.BlockSpec((1, C), lambda i: (0, 0)),
        pl.BlockSpec((1, C), lambda i: (0, 0)),
        pl.BlockSpec((C, C), lambda i: (0, 0)),
    ],
    out_specs=pl.BlockSpec((R, C), lambda i: (i, 0)),
    out_shape=jax.ShapeDtypeStruct((N, C), jnp.float32),
)


def _tc3_body(a0_ref, a1_ref, hs_ref, deg_ref, b_ref, g_ref, be_ref, o_ref):
    dinv = _dinv_of(deg_ref[...])
    o_ref[...] = _norm_block(a0_ref[0], a1_ref[0], hs_ref[...], dinv,
                             b_ref[...], g_ref[...], be_ref[...])


_tc_norm_out = pl.pallas_call(
    _tc3_body,
    grid=(G,),
    in_specs=[
        pl.BlockSpec((1, R, C), lambda i: (0, i, 0)),
        pl.BlockSpec((1, R, C), lambda i: (1, i, 0)),
        pl.BlockSpec((R, C), lambda i: (i, 0)),
        pl.BlockSpec((R, 2), lambda i: (i, 0)),
        pl.BlockSpec((1, C), lambda i: (0, 0)),
        pl.BlockSpec((1, C), lambda i: (0, 0)),
        pl.BlockSpec((1, C), lambda i: (0, 0)),
    ],
    out_specs=pl.BlockSpec((R, C), lambda i: (i, 0)),
    out_shape=jax.ShapeDtypeStruct((N, C), jnp.float32),
)


@jax.jit
def kernel(x, edge_index, W1, b1, gamma1, beta1, W2, b2, gamma2, beta2):
    row = edge_index[0].astype(jnp.int32)
    col = edge_index[1].astype(jnp.int32)
    k = jnp.arange(NW * PAD, dtype=jnp.int32)
    pad_r = (k % N).reshape(NW, PAD)
    pad_c = (N + (k % (NPAD - N))).reshape(NW, PAD)
    row2d = jnp.concatenate([row.reshape(NW, EPW), pad_r], axis=1)
    row2d = row2d.reshape(NW * NCH, CH)
    col2d = jnp.concatenate([col.reshape(NW, EPW), pad_c], axis=1)
    col2d = col2d.reshape(NW * NCH, CH)

    zeros_nd = jnp.zeros((NPAD, C), jnp.float32)
    zeros_n = jnp.zeros((NPAD,), jnp.float32)
    ones_ch = jnp.ones((CH,), jnp.float32)

    sc_degree, sc_aggregate = _sc_kernels()

    deg = sc_degree(col2d, zeros_n, ones_ch)
    deg2 = jnp.swapaxes(deg.reshape(NC, NPAD)[:, :N], 0, 1)

    b1r, g1r, be1r = b1.reshape(1, C), gamma1.reshape(1, C), beta1.reshape(1, C)
    b2r, g2r, be2r = b2.reshape(1, C), gamma2.reshape(1, C), beta2.reshape(1, C)

    hs1 = _tc_matmul_scale(x, deg2, W1)
    acc1 = sc_aggregate(hs1, row2d, col2d, zeros_nd)
    hs2 = _tc_norm_matmul(acc1, acc1, hs1, deg2, b1r, g1r, be1r, W2)
    acc2 = sc_aggregate(hs2, row2d, col2d, zeros_nd)
    return _tc_norm_out(acc2, acc2, hs2, deg2, b2r, g2r, be2r)

# --- scband reference (transcript-rebuilt; emitter-appended) ---
"""Pipeline reference for scband-gcnlayer-2018634629419 (READ-ONLY COPY).

The authoritative reference and input builder live on the scoring server;
editing this copy changes nothing except your own understanding.
"""

import jax, jax.numpy as jnp
import numpy as np

N_NODES = 10000
IN_CH = 128
HID_CH = 128
OUT_CH = 128
N_EDGES = 320000


def setup_inputs(seed: int = 0) -> dict:
    key = jax.random.key(seed)
    ks = jax.random.split(key, 12)
    x = jax.random.normal(ks[0], (N_NODES, IN_CH), dtype=jnp.float32)
    edge_index = jax.random.randint(ks[1], (2, N_EDGES), 0, N_NODES, dtype=jnp.int64)
    s1 = 1.0 / np.sqrt(IN_CH)
    W1 = jax.random.uniform(ks[2], (IN_CH, HID_CH), minval=-s1, maxval=s1, dtype=jnp.float32)
    b1 = jnp.zeros((HID_CH,), dtype=jnp.float32)
    gamma1 = jnp.ones((HID_CH,), dtype=jnp.float32)
    beta1 = jnp.zeros((HID_CH,), dtype=jnp.float32)
    s2 = 1.0 / np.sqrt(HID_CH)
    W2 = jax.random.uniform(ks[3], (HID_CH, OUT_CH), minval=-s2, maxval=s2, dtype=jnp.float32)
    b2 = jnp.zeros((OUT_CH,), dtype=jnp.float32)
    gamma2 = jnp.ones((OUT_CH,), dtype=jnp.float32)
    beta2 = jnp.zeros((OUT_CH,), dtype=jnp.float32)
    return {"x": x, "edge_index": edge_index, "W1": W1, "b1": b1,
            "gamma1": gamma1, "beta1": beta1, "W2": W2, "b2": b2,
            "gamma2": gamma2, "beta2": beta2}


def _gcn_conv(x, edge_index, W, b, n_nodes):
    # x' = D^{-1/2} (A + I) D^{-1/2} X W + b  (PyG GCNConv semantics)
    h = x @ W
    row = edge_index[0]
    col = edge_index[1]
    loop = jnp.arange(n_nodes, dtype=row.dtype)
    row = jnp.concatenate([row, loop])
    col = jnp.concatenate([col, loop])
    ones = jnp.ones(row.shape[0], dtype=h.dtype)
    deg = jax.ops.segment_sum(ones, col, num_segments=n_nodes)
    dinv = jnp.where(deg > 0, deg ** -0.5, 0.0)
    norm = dinv[row] * dinv[col]
    msg = h[row] * norm[:, None]
    out = jax.ops.segment_sum(msg, col, num_segments=n_nodes)
    return out + b


def _layer_norm(h, gamma, beta, eps=1e-5):
    mu = jnp.mean(h, axis=-1, keepdims=True)
    var = jnp.mean((h - mu) ** 2, axis=-1, keepdims=True)
    return (h - mu) / jnp.sqrt(var + eps) * gamma + beta


def reference(x, edge_index, W1, b1, gamma1, beta1, W2, b2, gamma2, beta2):
    n = x.shape[0]
    h = _gcn_conv(x, edge_index, W1, b1, n)
    h = _layer_norm(h, gamma1, beta1)
    h = jax.nn.relu(h)
    # dropout is identity in eval mode
    g = _gcn_conv(h, edge_index, W2, b2, n)
    g = _layer_norm(g, gamma2, beta2)
    g = jax.nn.relu(g)
    return g

if __name__ == "__main__":
    import jax
    _d = setup_inputs()
    print(jax.jit(kernel)(*tuple(_d.values())))

</pallas_src>

<mosaic_0001>
#map = affine_map<(d0, d1) -> (0, 0)>
#map1 = affine_map<(d0, d1) -> (0, 0, 0)>
module attributes {stable_mosaic.version = 14 : i64} {
  func.func @_sc_aggregate(%arg0: i32, %arg1: i32, %arg2: memref<10000x128xf32, #tpu.memory_space<hbm>>, %arg3: memref<2560x128xi32, #tpu.memory_space<hbm>>, %arg4: memref<2560x128xi32, #tpu.memory_space<hbm>>, %arg5: memref<10112x128xf32, #tpu.memory_space<hbm>>, %arg6: memref<2x10112x128xf32, #tpu.memory_space<hbm>>, %arg7: memref<40x128xi32, #tpu.memory_space<vmem>>, %arg8: memref<40x128xi32, #tpu.memory_space<vmem>>, %arg9: memref<128x128xf32, #tpu.memory_space<vmem>>, %arg10: memref<128x128xf32, #tpu.memory_space<vmem>>, %arg11: memref<10112x128xf32, #tpu.memory_space<vmem_shared>>, %arg12: memref<!tpu.dma_semaphore, #tpu.memory_space<semaphore_mem>>, %arg13: memref<!tpu.dma_semaphore, #tpu.memory_space<semaphore_mem>>, %arg14: memref<!tpu.dma_semaphore, #tpu.memory_space<semaphore_mem>>, %arg15: memref<!tpu.dma_semaphore, #tpu.memory_space<semaphore_mem>>) attributes {dimension_semantics = [#tpu.dimension_semantics<core_parallel>, #tpu.dimension_semantics<subcore_parallel>], iteration_bounds = array<i64: 2, 16>, scalar_prefetch = 0 : i64, scratch_operands = 9 : i64, tpu.core_type = #tpu.core_type<sc_vector_subcore>, window_params = [{transform_indices = #map}, {transform_indices = #map}, {transform_indices = #map}, {transform_indices = #map}, {transform_indices = #map1}]} {
    %mul3A = arith.constant 2 : i32
    %mul3A_0 = arith.muli %arg1, %mul3A : i32
    %add3A = arith.addi %mul3A_0, %arg0 : i32
    %mul3A_1 = arith.constant 632 : i32
    %mul3A_2 = arith.muli %arg1, %mul3A_1 : i32
    %mul3A_3 = arith.constant 632 : i32
    %mul3A_4 = arith.muli %arg1, %mul3A_3 : i32
    %dma_start3A = arith.constant 0 : i32
    %dma_start3A_5 = tpu.memref_slice %arg11[%mul3A_4, %dma_start3A] : memref<10112x128xf32, #tpu.memory_space<vmem_shared>> -> memref<632x128xf32, #tpu.memory_space<vmem_shared>>
    %dma_start3A_6 = arith.constant 0 : i32
    %dma_start3A_7 = tpu.memref_slice %arg5[%mul3A_2, %dma_start3A_6] : memref<10112x128xf32, #tpu.memory_space<hbm>> -> memref<632x128xf32, #tpu.memory_space<hbm>>
    tpu.enqueue_dma source(%dma_start3A_7 : memref<632x128xf32, #tpu.memory_space<hbm>>) target(%dma_start3A_5 : memref<632x128xf32, #tpu.memory_space<vmem_shared>>) target_semaphore(%arg14 : memref<!tpu.dma_semaphore, #tpu.memory_space<semaphore_mem>>)
    %mul3A_8 = arith.constant 80 : i32
    %mul3A_9 = arith.muli %add3A, %mul3A_8 : i32
    %add3A_10 = arith.constant 0 : i32
    %add3A_11 = arith.addi %mul3A_9, %add3A_10 : i32
    "tpu.region"() ({
      %run_scoped3A = tpu.sem_alloc : memref<!tpu.dma_semaphore, #tpu.memory_space<semaphore_mem>>
      %dma_start3A_71 = arith.constant 0 : i32
      %dma_start3A_72 = tpu.memref_slice %arg3[%add3A_11, %dma_start3A_71] : memref<2560x128xi32, #tpu.memory_space<hbm>> -> memref<40x128xi32, #tpu.memory_space<hbm>>
      %dma_start3A_73 = arith.constant 0 : i32
      %dma_start3A_74 = tpu.memref_slice %arg3[%add3A_11, %dma_start3A_73] : memref<2560x128xi32, #tpu.memory_space<hbm>> -> memref<40x128xi32, #tpu.memory_space<hbm>>
      tpu.enqueue_dma source(%dma_start3A_74 : memref<40x128xi32, #tpu.memory_space<hbm>>) target(%arg7 : memref<40x128xi32, #tpu.memory_space<vmem>>) target_semaphore(%run_scoped3A : memref<!tpu.dma_semaphore, #tpu.memory_space<semaphore_mem>>)
      %dma_wait3A_75 = arith.constant 0 : i32
      %dma_wait3A_76 = tpu.memref_slice %arg3[%add3A_11, %dma_wait3A_75] : memref<2560x128xi32, #tpu.memory_space<hbm>> -> memref<40x128xi32, #tpu.memory_space<hbm>>
      %dma_wait3A_77 = arith.constant 0 : i32
      %dma_wait3A_78 = tpu.memref_slice %arg3[%add3A_11, %dma_wait3A_77] : memref<2560x128xi32, #tpu.memory_space<hbm>> -> memref<40x128xi32, #tpu.memory_space<hbm>>
      tpu.wait_dma2 semaphore(%run_scoped3A : memref<!tpu.dma_semaphore, #tpu.memory_space<semaphore_mem>>) src(%dma_wait3A_78 : memref<40x128xi32, #tpu.memory_space<hbm>>) dst(%arg7 : memref<40x128xi32, #tpu.memory_space<vmem>>)
      tpu.yield
    }) : () -> ()
    %mul3A_12 = arith.constant 80 : i32
    %mul3A_13 = arith.muli %add3A, %mul3A_12 : i32
    %add3A_14 = arith.constant 0 : i32
    %add3A_15 = arith.addi %mul3A_13, %add3A_14 : i32
    "tpu.region"() ({
      %run_scoped3A = tpu.sem_alloc : memref<!tpu.dma_semaphore, #tpu.memory_space<semaphore_mem>>
      %dma_start3A_71 = arith.constant 0 : i32
      %dma_start3A_72 = tpu.memref_slice %arg4[%add3A_15, %dma_start3A_71] : memref<2560x128xi32, #tpu.memory_space<hbm>> -> memref<40x128xi32, #tpu.memory_space<hbm>>
      %dma_start3A_73 = arith.constant 0 : i32
      %dma_start3A_74 = tpu.memref_slice %arg4[%add3A_15, %dma_start3A_73] : memref<2560x128xi32, #tpu.memory_space<hbm>> -> memref<40x128xi32, #tpu.memory_space<hbm>>
      tpu.enqueue_dma source(%dma_start3A_74 : memref<40x128xi32, #tpu.memory_space<hbm>>) target(%arg8 : memref<40x128xi32, #tpu.memory_space<vmem>>) target_semaphore(%run_scoped3A : memref<!tpu.dma_semaphore, #tpu.memory_space<semaphore_mem>>)
      %dma_wait3A_75 = arith.constant 0 : i32
      %dma_wait3A_76 = tpu.memref_slice %arg4[%add3A_15, %dma_wait3A_75] : memref<2560x128xi32, #tpu.memory_space<hbm>> -> memref<40x128xi32, #tpu.memory_space<hbm>>
      %dma_wait3A_77 = arith.constant 0 : i32
      %dma_wait3A_78 = tpu.memref_slice %arg4[%add3A_15, %dma_wait3A_77] : memref<2560x128xi32, #tpu.memory_space<hbm>> -> memref<40x128xi32, #tpu.memory_space<hbm>>
      tpu.wait_dma2 semaphore(%run_scoped3A : memref<!tpu.dma_semaphore, #tpu.memory_space<semaphore_mem>>) src(%dma_wait3A_78 : memref<40x128xi32, #tpu.memory_space<hbm>>) dst(%arg8 : memref<40x128xi32, #tpu.memory_space<vmem>>)
      tpu.yield
    }) : () -> ()
    %dma_wait3A = arith.constant 0 : i32
    %dma_wait3A_16 = tpu.memref_slice %arg11[%mul3A_4, %dma_wait3A] : memref<10112x128xf32, #tpu.memory_space<vmem_shared>> -> memref<632x128xf32, #tpu.memory_space<vmem_shared>>
    %dma_wait3A_17 = arith.constant 0 : i32
    %dma_wait3A_18 = tpu.memref_slice %arg5[%mul3A_2, %dma_wait3A_17] : memref<10112x128xf32, #tpu.memory_space<hbm>> -> memref<632x128xf32, #tpu.memory_space<hbm>>
    tpu.wait_dma2 semaphore(%arg14 : memref<!tpu.dma_semaphore, #tpu.memory_space<semaphore_mem>>) src(%dma_wait3A_18 : memref<632x128xf32, #tpu.memory_space<hbm>>) dst(%dma_wait3A_16 : memref<632x128xf32, #tpu.memory_space<vmem_shared>>)
    %barrier3A = arith.constant 0 : index
    tpu.barrier barrier_id(%barrier3A)
    %dma_start3A_19 = arith.constant 0 : i32
    %dma_start3A_20 = arith.constant 0 : i32
    %dma_start3A_21 = tpu.memref_slice %arg7[%dma_start3A_19, %dma_start3A_20] : memref<40x128xi32, #tpu.memory_space<vmem>> -> memref<1x128xi32, #tpu.memory_space<vmem>>
    %dma_start3A_22 = tpu.memref_squeeze %dma_start3A_21 : memref<1x128xi32, #tpu.memory_space<vmem>> -> memref<128xi32, #tpu.memory_space<vmem>>
    %dma_start3A_23 = arith.constant 0 : i32
    %dma_start3A_24 = arith.constant 0 : i32
    %dma_start3A_25 = tpu.memref_slice %arg2[%dma_start3A_23, %dma_start3A_24] : memref<10000x128xf32, #tpu.memory_space<hbm>> -> memref<10000x128xf32, #tpu.memory_space<hbm>>
    tpu.enqueue_indirect_dma source(%dma_start3A_25 : memref<10000x128xf32, #tpu.memory_space<hbm>>) target(%arg9 : memref<128x128xf32, #tpu.memory_space<vmem>>) offsets(%dma_start3A_22 : memref<128xi32, #tpu.memory_space<vmem>>) semaphore(%arg12 : memref<!tpu.dma_semaphore, #tpu.memory_space<semaphore_mem>>)
    %dma_start3A_26 = arith.constant 1 : i32
    %dma_start3A_27 = arith.constant 0 : i32
    %dma_start3A_28 = tpu.memref_slice %arg7[%dma_start3A_26, %dma_start3A_27] : memref<40x128xi32, #tpu.memory_space<vmem>> -> memref<1x128xi32, #tpu.memory_space<vmem>>
    %dma_start3A_29 = tpu.memref_squeeze %dma_start3A_28 : memref<1x128xi32, #tpu.memory_space<vmem>> -> memref<128xi32, #tpu.memory_space<vmem>>
    %dma_start3A_30 = arith.constant 0 : i32
    %dma_start3A_31 = arith.constant 0 : i32
    %dma_start3A_32 = tpu.memref_slice %arg2[%dma_start3A_30, %dma_start3A_31] : memref<10000x128xf32, #tpu.memory_space<hbm>> -> memref<10000x128xf32, #tpu.memory_space<hbm>>
    tpu.enqueue_indirect_dma source(%dma_start3A_32 : memref<10000x128xf32, #tpu.memory_space<hbm>>) target(%arg10 : memref<128x128xf32, #tpu.memory_space<vmem>>) offsets(%dma_start3A_29 : memref<128xi32, #tpu.memory_space<vmem>>) semaphore(%arg13 : memref<!tpu.dma_semaphore, #tpu.memory_space<semaphore_mem>>)
    %scan3A = arith.constant 0 : i32
    %scan3A_33 = arith.constant 0 : i32
    %scan3A_34 = arith.constant 20 : i32
    %scan3A_35 = arith.addi %scan3A_33, %scan3A_34 : i32
    %scan3A_36 = arith.constant 1 : i32
    scf.for %scan3A_71 = %scan3A_33 to %scan3A_35 step %scan3A_36  : i32 {
      %mul3A_72 = arith.constant 2 : i32
      %mul3A_73 = arith.muli %mul3A_72, %scan3A_71 : i32
      %add3A_74 = arith.constant 1 : i32
      %add3A_75 = arith.addi %mul3A_73, %add3A_74 : i32
      %dma_wait3A_76 = arith.constant 0 : i32
      %dma_wait3A_77 = arith.constant 0 : i32
      %dma_wait3A_78 = tpu.memref_slice %arg2[%dma_wait3A_76, %dma_wait3A_77] : memref<10000x128xf32, #tpu.memory_space<hbm>> -> memref<128x128xf32, #tpu.memory_space<hbm>>
      %dma_wait3A_79 = arith.constant 0 : i32
      %dma_wait3A_80 = arith.constant 0 : i32
      %dma_wait3A_81 = tpu.memref_slice %arg2[%dma_wait3A_79, %dma_wait3A_80] : memref<10000x128xf32, #tpu.memory_space<hbm>> -> memref<128x128xf32, #tpu.memory_space<hbm>>
      tpu.wait_dma2 semaphore(%arg12 : memref<!tpu.dma_semaphore, #tpu.memory_space<semaphore_mem>>) src(%dma_wait3A_81 : memref<128x128xf32, #tpu.memory_space<hbm>>) dst(%arg9 : memref<128x128xf32, #tpu.memory_space<vmem>>)
      "tpu.region"() ({
        %run_scoped3A = tpu.sem_alloc : memref<!tpu.dma_semaphore, #tpu.memory_space<semaphore_mem>>
        %dma_start3A_99 = arith.constant 0 : i32
        %dma_start3A_100 = tpu.memref_slice %arg8[%mul3A_73, %dma_start3A_99] : memref<40x128xi32, #tpu.memory_space<vmem>> -> memref<1x128xi32, #tpu.memory_space<vmem>>
        %dma_start3A_101 = tpu.memref_squeeze %dma_start3A_100 : memref<1x128xi32, #tpu.memory_space<vmem>> -> memref<128xi32, #tpu.memory_space<vmem>>
        %dma_start3A_102 = arith.constant 0 : i32
        %dma_start3A_103 = arith.constant 0 : i32
        %dma_start3A_104 = tpu.memref_slice %arg11[%dma_start3A_102, %dma_start3A_103] : memref<10112x128xf32, #tpu.memory_space<vmem_shared>> -> memref<10112x128xf32, #tpu.memory_space<vmem_shared>>
        tpu.enqueue_indirect_dma source(%arg9 : memref<128x128xf32, #tpu.memory_space<vmem>>) target(%dma_start3A_104 : memref<10112x128xf32, #tpu.memory_space<vmem_shared>>) offsets(%dma_start3A_101 : memref<128xi32, #tpu.memory_space<vmem>>) semaphore(%run_scoped3A : memref<!tpu.dma_semaphore, #tpu.memory_space<semaphore_mem>>) {add = true}
        %dma_wait3A_105 = arith.constant 0 : i32
        %dma_wait3A_106 = tpu.memref_slice %arg8[%mul3A_73, %dma_wait3A_105] : memref<40x128xi32, #tpu.memory_space<vmem>> -> memref<1x128xi32, #tpu.memory_space<vmem>>
        %dma_wait3A_107 = tpu.memref_squeeze %dma_wait3A_106 : memref<1x128xi32, #tpu.memory_space<vmem>> -> memref<128xi32, #tpu.memory_space<vmem>>
        %dma_wait3A_108 = arith.constant 0 : i32
        %dma_wait3A_109 = arith.constant 0 : i32
        %dma_wait3A_110 = tpu.memref_slice %arg11[%dma_wait3A_108, %dma_wait3A_109] : memref<10112x128xf32, #tpu.memory_space<vmem_shared>> -> memref<10112x128xf32, #tpu.memory_space<vmem_shared>>
        tpu.wait_indirect_dma semaphore(%run_scoped3A : memref<!tpu.dma_semaphore, #tpu.memory_space<semaphore_mem>>) src(%arg9 : memref<128x128xf32, #tpu.memory_space<vmem>>) dst(%dma_wait3A_110 : memref<10112x128xf32, #tpu.memory_space<vmem_shared>>)
        tpu.yield
      }) : () -> ()
      %add3A_82 = arith.constant 2 : i32
      %add3A_83 = arith.addi %mul3A_73, %add3A_82 : i32
      %lt3A = arith.constant 40 : i32
      %lt3A_84 = arith.cmpi slt, %add3A_83, %lt3A : i32
      %convert_element_type3A = arith.extui %lt3A_84 : i1 to i32
      %cond3A = arith.constant 0 : i32
      %cond3A_85 = arith.cmpi ne, %convert_element_type3A, %cond3A : i32
      scf.if %cond3A_85 {
        %add3A_99 = arith.constant 2 : i32
        %add3A_100 = arith.addi %mul3A_73, %add3A_99 : i32
        %dma_start3A_101 = arith.constant 0 : i32
        %dma_start3A_102 = tpu.memref_slice %arg7[%add3A_100, %dma_start3A_101] : memref<40x128xi32, #tpu.memory_space<vmem>> -> memref<1x128xi32, #tpu.memory_space<vmem>>
        %dma_start3A_103 = tpu.memref_squeeze %dma_start3A_102 : memref<1x128xi32, #tpu.memory_space<vmem>> -> memref<128xi32, #tpu.memory_space<vmem>>
        %dma_start3A_104 = arith.constant 0 : i32
        %dma_start3A_105 = arith.constant 0 : i32
        %dma_start3A_106 = tpu.memref_slice %arg2[%dma_start3A_104, %dma_start3A_105] : memref<10000x128xf32, #tpu.memory_space<hbm>> -> memref<10000x128xf32, #tpu.memory_space<hbm>>
        tpu.enqueue_indirect_dma source(%dma_start3A_106 : memref<10000x128xf32, #tpu.memory_space<hbm>>) target(%arg9 : memref<128x128xf32, #tpu.memory_space<vmem>>) offsets(%dma_start3A_103 : memref<128xi32, #tpu.memory_space<vmem>>) semaphore(%arg12 : memref<!tpu.dma_semaphore, #tpu.memory_space<semaphore_mem>>)
      } else {
      }
      %dma_wait3A_86 = arith.constant 0 : i32
      %dma_wait3A_87 = arith.constant 0 : i32
      %dma_wait3A_88 = tpu.memref_slice %arg2[%dma_wait3A_86, %dma_wait3A_87] : memref<10000x128xf32, #tpu.memory_space<hbm>> -> memref<128x128xf32, #tpu.memory_space<hbm>>
      %dma_wait3A_89 = arith.constant 0 : i32
      %dma_wait3A_90 = arith.constant 0 : i32
      %dma_wait3A_91 = tpu.memref_slice %arg2[%dma_wait3A_89, %dma_wait3A_90] : memref<10000x128xf32, #tpu.memory_space<hbm>> -> memref<128x128xf32, #tpu.memory_space<hbm>>
      tpu.wait_dma2 semaphore(%arg13 : memref<!tpu.dma_semaphore, #tpu.memory_space<semaphore_mem>>) src(%dma_wait3A_91 : memref<128x128xf32, #tpu.memory_space<hbm>>) dst(%arg10 : memref<128x128xf32, #tpu.memory_space<vmem>>)
      "tpu.region"() ({
        %run_scoped3A = tpu.sem_alloc : memref<!tpu.dma_semaphore, #tpu.memory_space<semaphore_mem>>
        %dma_start3A_99 = arith.constant 0 : i32
        %dma_start3A_100 = tpu.memref_slice %arg8[%add3A_75, %dma_start3A_99] : memref<40x128xi32, #tpu.memory_space<vmem>> -> memref<1x128xi32, #tpu.memory_space<vmem>>
        %dma_start3A_101 = tpu.memref_squeeze %dma_start3A_100 : memref<1x128xi32, #tpu.memory_space<vmem>> -> memref<128xi32, #tpu.memory_space<vmem>>
        %dma_start3A_102 = arith.constant 0 : i32
        %dma_start3A_103 = arith.constant 0 : i32
        %dma_start3A_104 = tpu.memref_slice %arg11[%dma_start3A_102, %dma_start3A_103] : memref<10112x128xf32, #tpu.memory_space<vmem_shared>> -> memref<10112x128xf32, #tpu.memory_space<vmem_shared>>
        tpu.enqueue_indirect_dma source(%arg10 : memref<128x128xf32, #tpu.memory_space<vmem>>) target(%dma_start3A_104 : memref<10112x128xf32, #tpu.memory_space<vmem_shared>>) offsets(%dma_start3A_101 : memref<128xi32, #tpu.memory_space<vmem>>) semaphore(%run_scoped3A : memref<!tpu.dma_semaphore, #tpu.memory_space<semaphore_mem>>) {add = true}
        %dma_wait3A_105 = arith.constant 0 : i32
        %dma_wait3A_106 = tpu.memref_slice %arg8[%add3A_75, %dma_wait3A_105] : memref<40x128xi32, #tpu.memory_space<vmem>> -> memref<1x128xi32, #tpu.memory_space<vmem>>
        %dma_wait3A_107 = tpu.memref_squeeze %dma_wait3A_106 : memref<1x128xi32, #tpu.memory_space<vmem>> -> memref<128xi32, #tpu.memory_space<vmem>>
        %dma_wait3A_108 = arith.constant 0 : i32
        %dma_wait3A_109 = arith.constant 0 : i32
        %dma_wait3A_110 = tpu.memref_slice %arg11[%dma_wait3A_108, %dma_wait3A_109] : memref<10112x128xf32, #tpu.memory_space<vmem_shared>> -> memref<10112x128xf32, #tpu.memory_space<vmem_shared>>
        tpu.wait_indirect_dma semaphore(%run_scoped3A : memref<!tpu.dma_semaphore, #tpu.memory_space<semaphore_mem>>) src(%arg10 : memref<128x128xf32, #tpu.memory_space<vmem>>) dst(%dma_wait3A_110 : memref<10112x128xf32, #tpu.memory_space<vmem_shared>>)
        tpu.yield
      }) : () -> ()
      %add3A_92 = arith.constant 2 : i32
      %add3A_93 = arith.addi %add3A_75, %add3A_92 : i32
      %lt3A_94 = arith.constant 40 : i32
      %lt3A_95 = arith.cmpi slt, %add3A_93, %lt3A_94 : i32
      %convert_element_type3A_96 = arith.extui %lt3A_95 : i1 to i32
      %cond3A_97 = arith.constant 0 : i32
      %cond3A_98 = arith.cmpi ne, %convert_element_type3A_96, %cond3A_97 : i32
      scf.if %cond3A_98 {
        %add3A_99 = arith.constant 2 : i32
        %add3A_100 = arith.addi %add3A_75, %add3A_99 : i32
        %dma_start3A_101 = arith.constant 0 : i32
        %dma_start3A_102 = tpu.memref_slice %arg7[%add3A_100, %dma_start3A_101] : memref<40x128xi32, #tpu.memory_space<vmem>> -> memref<1x128xi32, #tpu.memory_space<vmem>>
        %dma_start3A_103 = tpu.memref_squeeze %dma_start3A_102 : memref<1x128xi32, #tpu.memory_space<vmem>> -> memref<128xi32, #tpu.memory_space<vmem>>
        %dma_start3A_104 = arith.constant 0 : i32
        %dma_start3A_105 = arith.constant 0 : i32
        %dma_start3A_106 = tpu.memref_slice %arg2[%dma_start3A_104, %dma_start3A_105] : memref<10000x128xf32, #tpu.memory_space<hbm>> -> memref<10000x128xf32, #tpu.memory_space<hbm>>
        tpu.enqueue_indirect_dma source(%dma_start3A_106 : memref<10000x128xf32, #tpu.memory_space<hbm>>) target(%arg10 : memref<128x128xf32, #tpu.memory_space<vmem>>) offsets(%dma_start3A_103 : memref<128xi32, #tpu.memory_space<vmem>>) semaphore(%arg13 : memref<!tpu.dma_semaphore, #tpu.memory_space<semaphore_mem>>)
      } else {
      }
    }
    %scan3A_37 = arith.constant 20 : i32
    %mul3A_38 = arith.constant 80 : i32
    %mul3A_39 = arith.muli %add3A, %mul3A_38 : i32
    %add3A_40 = arith.constant 40 : i32
    %add3A_41 = arith.addi %mul3A_39, %add3A_40 : i32
    "tpu.region"() ({
      %run_scoped3A = tpu.sem_alloc : memref<!tpu.dma_semaphore, #tpu.memory_space<semaphore_mem>>
      %dma_start3A_71 = arith.constant 0 : i32
      %dma_start3A_72 = tpu.memref_slice %arg3[%add3A_41, %dma_start3A_71] : memref<2560x128xi32, #tpu.memory_space<hbm>> -> memref<40x128xi32, #tpu.memory_space<hbm>>
      %dma_start3A_73 = arith.constant 0 : i32
      %dma_start3A_74 = tpu.memref_slice %arg3[%add3A_41, %dma_start3A_73] : memref<2560x128xi32, #tpu.memory_space<hbm>> -> memref<40x128xi32, #tpu.memory_space<hbm>>
      tpu.enqueue_dma source(%dma_start3A_74 : memref<40x128xi32, #tpu.memory_space<hbm>>) target(%arg7 : memref<40x128xi32, #tpu.memory_space<vmem>>) target_semaphore(%run_scoped3A : memref<!tpu.dma_semaphore, #tpu.memory_space<semaphore_mem>>)
      %dma_wait3A_75 = arith.constant 0 : i32
      %dma_wait3A_76 = tpu.memref_slice %arg3[%add3A_41, %dma_wait3A_75] : memref<2560x128xi32, #tpu.memory_space<hbm>> -> memref<40x128xi32, #tpu.memory_space<hbm>>
      %dma_wait3A_77 = arith.constant 0 : i32
      %dma_wait3A_78 = tpu.memref_slice %arg3[%add3A_41, %dma_wait3A_77] : memref<2560x128xi32, #tpu.memory_space<hbm>> -> memref<40x128xi32, #tpu.memory_space<hbm>>
      tpu.wait_dma2 semaphore(%run_scoped3A : memref<!tpu.dma_semaphore, #tpu.memory_space<semaphore_mem>>) src(%dma_wait3A_78 : memref<40x128xi32, #tpu.memory_space<hbm>>) dst(%arg7 : memref<40x128xi32, #tpu.memory_space<vmem>>)
      tpu.yield
    }) : () -> ()
    %mul3A_42 = arith.constant 80 : i32
    %mul3A_43 = arith.muli %add3A, %mul3A_42 : i32
    %add3A_44 = arith.constant 40 : i32
    %add3A_45 = arith.addi %mul3A_43, %add3A_44 : i32
    "tpu.region"() ({
      %run_scoped3A = tpu.sem_alloc : memref<!tpu.dma_semaphore, #tpu.memory_space<semaphore_mem>>
      %dma_start3A_71 = arith.constant 0 : i32
      %dma_start3A_72 = tpu.memref_slice %arg4[%add3A_45, %dma_start3A_71] : memref<2560x128xi32, #tpu.memory_space<hbm>> -> memref<40x128xi32, #tpu.memory_space<hbm>>
      %dma_start3A_73 = arith.constant 0 : i32
      %dma_start3A_74 = tpu.memref_slice %arg4[%add3A_45, %dma_start3A_73] : memref<2560x128xi32, #tpu.memory_space<hbm>> -> memref<40x128xi32, #tpu.memory_space<hbm>>
      tpu.enqueue_dma source(%dma_start3A_74 : memref<40x128xi32, #tpu.memory_space<hbm>>) target(%arg8 : memref<40x128xi32, #tpu.memory_space<vmem>>) target_semaphore(%run_scoped3A : memref<!tpu.dma_semaphore, #tpu.memory_space<semaphore_mem>>)
      %dma_wait3A_75 = arith.constant 0 : i32
      %dma_wait3A_76 = tpu.memref_slice %arg4[%add3A_45, %dma_wait3A_75] : memref<2560x128xi32, #tpu.memory_space<hbm>> -> memref<40x128xi32, #tpu.memory_space<hbm>>
      %dma_wait3A_77 = arith.constant 0 : i32
      %dma_wait3A_78 = tpu.memref_slice %arg4[%add3A_45, %dma_wait3A_77] : memref<2560x128xi32, #tpu.memory_space<hbm>> -> memref<40x128xi32, #tpu.memory_space<hbm>>
      tpu.wait_dma2 semaphore(%run_scoped3A : memref<!tpu.dma_semaphore, #tpu.memory_space<semaphore_mem>>) src(%dma_wait3A_78 : memref<40x128xi32, #tpu.memory_space<hbm>>) dst(%arg8 : memref<40x128xi32, #tpu.memory_space<vmem>>)
      tpu.yield
    }) : () -> ()
    %dma_start3A_46 = arith.constant 0 : i32
    %dma_start3A_47 = arith.constant 0 : i32
    %dma_start3A_48 = tpu.memref_slice %arg7[%dma_start3A_46, %dma_start3A_47] : memref<40x128xi32, #tpu.memory_space<vmem>> -> memref<1x128xi32, #tpu.memory_space<vmem>>
    %dma_start3A_49 = tpu.memref_squeeze %dma_start3A_48 : memref<1x128xi32, #tpu.memory_space<vmem>> -> memref<128xi32, #tpu.memory_space<vmem>>
    %dma_start3A_50 = arith.constant 0 : i32
    %dma_start3A_51 = arith.constant 0 : i32
    %dma_start3A_52 = tpu.memref_slice %arg2[%dma_start3A_50, %dma_start3A_51] : memref<10000x128xf32, #tpu.memory_space<hbm>> -> memref<10000x128xf32, #tpu.memory_space<hbm>>
    tpu.enqueue_indirect_dma source(%dma_start3A_52 : memref<10000x128xf32, #tpu.memory_space<hbm>>) target(%arg9 : memref<128x128xf32, #tpu.memory_space<vmem>>) offsets(%dma_start3A_49 : memref<128xi32, #tpu.memory_space<vmem>>) semaphore(%arg12 : memref<!tpu.dma_semaphore, #tpu.memory_space<semaphore_mem>>)
    %dma_start3A_53 = arith.constant 1 : i32
    %dma_start3A_54 = arith.constant 0 : i32
    %dma_start3A_55 = tpu.memref_slice %arg7[%dma_start3A_53, %dma_start3A_54] : memref<40x128xi32, #tpu.memory_space<vmem>> -> memref<1x128xi32, #tpu.memory_space<vmem>>
    %dma_start3A_56 = tpu.memref_squeeze %dma_start3A_55 : memref<1x128xi32, #tpu.memory_space<vmem>> -> memref<128xi32, #tpu.memory_space<vmem>>
    %dma_start3A_57 = arith.constant 0 : i32
    %dma_start3A_58 = arith.constant 0 : i32
    %dma_start3A_59 = tpu.memref_slice %arg2[%dma_start3A_57, %dma_start3A_58] : memref<10000x128xf32, #tpu.memory_space<hbm>> -> memref<10000x128xf32, #tpu.memory_space<hbm>>
    tpu.enqueue_indirect_dma source(%dma_start3A_59 : memref<10000x128xf32, #tpu.memory_space<hbm>>) target(%arg10 : memref<128x128xf32, #tpu.memory_space<vmem>>) offsets(%dma_start3A_56 : memref<128xi32, #tpu.memory_space<vmem>>) semaphore(%arg13 : memref<!tpu.dma_semaphore, #tpu.memory_space<semaphore_mem>>)
    %scan3A_60 = arith.constant 0 : i32
    %scan3A_61 = arith.constant 0 : i32
    %scan3A_62 = arith.constant 20 : i32
    %scan3A_63 = arith.addi %scan3A_61, %scan3A_62 : i32
    %scan3A_64 = arith.constant 1 : i32
    scf.for %scan3A_71 = %scan3A_61 to %scan3A_63 step %scan3A_64  : i32 {
      %mul3A_72 = arith.constant 2 : i32
      %mul3A_73 = arith.muli %mul3A_72, %scan3A_71 : i32
      %add3A_74 = arith.constant 1 : i32
      %add3A_75 = arith.addi %mul3A_73, %add3A_74 : i32
      %dma_wait3A_76 = arith.constant 0 : i32
      %dma_wait3A_77 = arith.constant 0 : i32
      %dma_wait3A_78 = tpu.memref_slice %arg2[%dma_wait3A_76, %dma_wait3A_77] : memref<10000x128xf32, #tpu.memory_space<hbm>> -> memref<128x128xf32, #tpu.memory_space<hbm>>
      %dma_wait3A_79 = arith.constant 0 : i32
      %dma_wait3A_80 = arith.constant 0 : i32
      %dma_wait3A_81 = tpu.memref_slice %arg2[%dma_wait3A_79, %dma_wait3A_80] : memref<10000x128xf32, #tpu.memory_space<hbm>> -> memref<128x128xf32, #tpu.memory_space<hbm>>
      tpu.wait_dma2 semaphore(%arg12 : memref<!tpu.dma_semaphore, #tpu.memory_space<semaphore_mem>>) src(%dma_wait3A_81 : memref<128x128xf32, #tpu.memory_space<hbm>>) dst(%arg9 : memref<128x128xf32, #tpu.memory_space<vmem>>)
      "tpu.region"() ({
        %run_scoped3A = tpu.sem_alloc : memref<!tpu.dma_semaphore, #tpu.memory_space<semaphore_mem>>
        %dma_start3A_99 = arith.constant 0 : i32
        %dma_start3A_100 = tpu.memref_slice %arg8[%mul3A_73, %dma_start3A_99] : memref<40x128xi32, #tpu.memory_space<vmem>> -> memref<1x128xi32, #tpu.memory_space<vmem>>
        %dma_start3A_101 = tpu.memref_squeeze %dma_start3A_100 : memref<1x128xi32, #tpu.memory_space<vmem>> -> memref<128xi32, #tpu.memory_space<vmem>>
        %dma_start3A_102 = arith.constant 0 : i32
        %dma_start3A_103 = arith.constant 0 : i32
        %dma_start3A_104 = tpu.memref_slice %arg11[%dma_start3A_102, %dma_start3A_103] : memref<10112x128xf32, #tpu.memory_space<vmem_shared>> -> memref<10112x128xf32, #tpu.memory_space<vmem_shared>>
        tpu.enqueue_indirect_dma source(%arg9 : memref<128x128xf32, #tpu.memory_space<vmem>>) target(%dma_start3A_104 : memref<10112x128xf32, #tpu.memory_space<vmem_shared>>) offsets(%dma_start3A_101 : memref<128xi32, #tpu.memory_space<vmem>>) semaphore(%run_scoped3A : memref<!tpu.dma_semaphore, #tpu.memory_space<semaphore_mem>>) {add = true}
        %dma_wait3A_105 = arith.constant 0 : i32
        %dma_wait3A_106 = tpu.memref_slice %arg8[%mul3A_73, %dma_wait3A_105] : memref<40x128xi32, #tpu.memory_space<vmem>> -> memref<1x128xi32, #tpu.memory_space<vmem>>
        %dma_wait3A_107 = tpu.memref_squeeze %dma_wait3A_106 : memref<1x128xi32, #tpu.memory_space<vmem>> -> memref<128xi32, #tpu.memory_space<vmem>>
        %dma_wait3A_108 = arith.constant 0 : i32
        %dma_wait3A_109 = arith.constant 0 : i32
        %dma_wait3A_110 = tpu.memref_slice %arg11[%dma_wait3A_108, %dma_wait3A_109] : memref<10112x128xf32, #tpu.memory_space<vmem_shared>> -> memref<10112x128xf32, #tpu.memory_space<vmem_shared>>
        tpu.wait_indirect_dma semaphore(%run_scoped3A : memref<!tpu.dma_semaphore, #tpu.memory_space<semaphore_mem>>) src(%arg9 : memref<128x128xf32, #tpu.memory_space<vmem>>) dst(%dma_wait3A_110 : memref<10112x128xf32, #tpu.memory_space<vmem_shared>>)
        tpu.yield
      }) : () -> ()
      %add3A_82 = arith.constant 2 : i32
      %add3A_83 = arith.addi %mul3A_73, %add3A_82 : i32
      %lt3A = arith.constant 40 : i32
      %lt3A_84 = arith.cmpi slt, %add3A_83, %lt3A : i32
      %convert_element_type3A = arith.extui %lt3A_84 : i1 to i32
      %cond3A = arith.constant 0 : i32
      %cond3A_85 = arith.cmpi ne, %convert_element_type3A, %cond3A : i32
      scf.if %cond3A_85 {
        %add3A_99 = arith.constant 2 : i32
        %add3A_100 = arith.addi %mul3A_73, %add3A_99 : i32
        %dma_start3A_101 = arith.constant 0 : i32
        %dma_start3A_102 = tpu.memref_slice %arg7[%add3A_100, %dma_start3A_101] : memref<40x128xi32, #tpu.memory_space<vmem>> -> memref<1x128xi32, #tpu.memory_space<vmem>>
        %dma_start3A_103 = tpu.memref_squeeze %dma_start3A_102 : memref<1x128xi32, #tpu.memory_space<vmem>> -> memref<128xi32, #tpu.memory_space<vmem>>
        %dma_start3A_104 = arith.constant 0 : i32
        %dma_start3A_105 = arith.constant 0 : i32
        %dma_start3A_106 = tpu.memref_slice %arg2[%dma_start3A_104, %dma_start3A_105] : memref<10000x128xf32, #tpu.memory_space<hbm>> -> memref<10000x128xf32, #tpu.memory_space<hbm>>
        tpu.enqueue_indirect_dma source(%dma_start3A_106 : memref<10000x128xf32, #tpu.memory_space<hbm>>) target(%arg9 : memref<128x128xf32, #tpu.memory_space<vmem>>) offsets(%dma_start3A_103 : memref<128xi32, #tpu.memory_space<vmem>>) semaphore(%arg12 : memref<!tpu.dma_semaphore, #tpu.memory_space<semaphore_mem>>)
      } else {
      }
      %dma_wait3A_86 = arith.constant 0 : i32
      %dma_wait3A_87 = arith.constant 0 : i32
      %dma_wait3A_88 = tpu.memref_slice %arg2[%dma_wait3A_86, %dma_wait3A_87] : memref<10000x128xf32, #tpu.memory_space<hbm>> -> memref<128x128xf32, #tpu.memory_space<hbm>>
      %dma_wait3A_89 = arith.constant 0 : i32
      %dma_wait3A_90 = arith.constant 0 : i32
      %dma_wait3A_91 = tpu.memref_slice %arg2[%dma_wait3A_89, %dma_wait3A_90] : memref<10000x128xf32, #tpu.memory_space<hbm>> -> memref<128x128xf32, #tpu.memory_space<hbm>>
      tpu.wait_dma2 semaphore(%arg13 : memref<!tpu.dma_semaphore, #tpu.memory_space<semaphore_mem>>) src(%dma_wait3A_91 : memref<128x128xf32, #tpu.memory_space<hbm>>) dst(%arg10 : memref<128x128xf32, #tpu.memory_space<vmem>>)
      "tpu.region"() ({
        %run_scoped3A = tpu.sem_alloc : memref<!tpu.dma_semaphore, #tpu.memory_space<semaphore_mem>>
        %dma_start3A_99 = arith.constant 0 : i32
        %dma_start3A_100 = tpu.memref_slice %arg8[%add3A_75, %dma_start3A_99] : memref<40x128xi32, #tpu.memory_space<vmem>> -> memref<1x128xi32, #tpu.memory_space<vmem>>
        %dma_start3A_101 = tpu.memref_squeeze %dma_start3A_100 : memref<1x128xi32, #tpu.memory_space<vmem>> -> memref<128xi32, #tpu.memory_space<vmem>>
        %dma_start3A_102 = arith.constant 0 : i32
        %dma_start3A_103 = arith.constant 0 : i32
        %dma_start3A_104 = tpu.memref_slice %arg11[%dma_start3A_102, %dma_start3A_103] : memref<10112x128xf32, #tpu.memory_space<vmem_shared>> -> memref<10112x128xf32, #tpu.memory_space<vmem_shared>>
        tpu.enqueue_indirect_dma source(%arg10 : memref<128x128xf32, #tpu.memory_space<vmem>>) target(%dma_start3A_104 : memref<10112x128xf32, #tpu.memory_space<vmem_shared>>) offsets(%dma_start3A_101 : memref<128xi32, #tpu.memory_space<vmem>>) semaphore(%run_scoped3A : memref<!tpu.dma_semaphore, #tpu.memory_space<semaphore_mem>>) {add = true}
        %dma_wait3A_105 = arith.constant 0 : i32
        %dma_wait3A_106 = tpu.memref_slice %arg8[%add3A_75, %dma_wait3A_105] : memref<40x128xi32, #tpu.memory_space<vmem>> -> memref<1x128xi32, #tpu.memory_space<vmem>>
        %dma_wait3A_107 = tpu.memref_squeeze %dma_wait3A_106 : memref<1x128xi32, #tpu.memory_space<vmem>> -> memref<128xi32, #tpu.memory_space<vmem>>
        %dma_wait3A_108 = arith.constant 0 : i32
        %dma_wait3A_109 = arith.constant 0 : i32
        %dma_wait3A_110 = tpu.memref_slice %arg11[%dma_wait3A_108, %dma_wait3A_109] : memref<10112x128xf32, #tpu.memory_space<vmem_shared>> -> memref<10112x128xf32, #tpu.memory_space<vmem_shared>>
        tpu.wait_indirect_dma semaphore(%run_scoped3A : memref<!tpu.dma_semaphore, #tpu.memory_space<semaphore_mem>>) src(%arg10 : memref<128x128xf32, #tpu.memory_space<vmem>>) dst(%dma_wait3A_110 : memref<10112x128xf32, #tpu.memory_space<vmem_shared>>)
        tpu.yield
      }) : () -> ()
      %add3A_92 = arith.constant 2 : i32
      %add3A_93 = arith.addi %add3A_75, %add3A_92 : i32
      %lt3A_94 = arith.constant 40 : i32
      %lt3A_95 = arith.cmpi slt, %add3A_93, %lt3A_94 : i32
      %convert_element_type3A_96 = arith.extui %lt3A_95 : i1 to i32
      %cond3A_97 = arith.constant 0 : i32
      %cond3A_98 = arith.cmpi ne, %convert_element_type3A_96, %cond3A_97 : i32
      scf.if %cond3A_98 {
        %add3A_99 = arith.constant 2 : i32
        %add3A_100 = arith.addi %add3A_75, %add3A_99 : i32
        %dma_start3A_101 = arith.constant 0 : i32
        %dma_start3A_102 = tpu.memref_slice %arg7[%add3A_100, %dma_start3A_101] : memref<40x128xi32, #tpu.memory_space<vmem>> -> memref<1x128xi32, #tpu.memory_space<vmem>>
        %dma_start3A_103 = tpu.memref_squeeze %dma_start3A_102 : memref<1x128xi32, #tpu.memory_space<vmem>> -> memref<128xi32, #tpu.memory_space<vmem>>
        %dma_start3A_104 = arith.constant 0 : i32
        %dma_start3A_105 = arith.constant 0 : i32
        %dma_start3A_106 = tpu.memref_slice %arg2[%dma_start3A_104, %dma_start3A_105] : memref<10000x128xf32, #tpu.memory_space<hbm>> -> memref<10000x128xf32, #tpu.memory_space<hbm>>
        tpu.enqueue_indirect_dma source(%dma_start3A_106 : memref<10000x128xf32, #tpu.memory_space<hbm>>) target(%arg10 : memref<128x128xf32, #tpu.memory_space<vmem>>) offsets(%dma_start3A_103 : memref<128xi32, #tpu.memory_space<vmem>>) semaphore(%arg13 : memref<!tpu.dma_semaphore, #tpu.memory_space<semaphore_mem>>)
      } else {
      }
    }
    %scan3A_65 = arith.constant 20 : i32
    %barrier3A_66 = arith.constant 0 : index
    tpu.barrier barrier_id(%barrier3A_66)
    %mul3A_67 = arith.constant 632 : i32
    %mul3A_68 = arith.muli %arg1, %mul3A_67 : i32
    %mul3A_69 = arith.constant 632 : i32
    %mul3A_70 = arith.muli %arg1, %mul3A_69 : i32
    "tpu.region"() ({
      %run_scoped3A = tpu.sem_alloc : memref<!tpu.dma_semaphore, #tpu.memory_space<semaphore_mem>>
      %dma_start3A_71 = arith.constant 0 : i32
      %dma_start3A_72 = tpu.memref_slice %arg6[%arg0, %mul3A_70, %dma_start3A_71] : memref<2x10112x128xf32, #tpu.memory_space<hbm>> -> memref<1x632x128xf32, #tpu.memory_space<hbm>>
      %dma_start3A_73 = tpu.memref_squeeze %dma_start3A_72 : memref<1x632x128xf32, #tpu.memory_space<hbm>> -> memref<632x128xf32, #tpu.memory_space<hbm>>
      %dma_start3A_74 = arith.constant 0 : i32
      %dma_start3A_75 = tpu.memref_slice %arg11[%mul3A_68, %dma_start3A_74] : memref<10112x128xf32, #tpu.memory_space<vmem_shared>> -> memref<632x128xf32, #tpu.memory_space<vmem_shared>>
      tpu.enqueue_dma source(%dma_start3A_75 : memref<632x128xf32, #tpu.memory_space<vmem_shared>>) target(%dma_start3A_73 : memref<632x128xf32, #tpu.memory_space<hbm>>) target_semaphore(%run_scoped3A : memref<!tpu.dma_semaphore, #tpu.memory_space<semaphore_mem>>)
      %dma_wait3A_76 = arith.constant 0 : i32
      %dma_wait3A_77 = tpu.memref_slice %arg6[%arg0, %mul3A_70, %dma_wait3A_76] : memref<2x10112x128xf32, #tpu.memory_space<hbm>> -> memref<1x632x128xf32, #tpu.memory_space<hbm>>
      %dma_wait3A_78 = tpu.memref_squeeze %dma_wait3A_77 : memref<1x632x128xf32, #tpu.memory_space<hbm>> -> memref<632x128xf32, #tpu.memory_space<hbm>>
      %dma_wait3A_79 = arith.constant 0 : i32
      %dma_wait3A_80 = tpu.memref_slice %arg11[%mul3A_68, %dma_wait3A_79] : memref<10112x128xf32, #tpu.memory_space<vmem_shared>> -> memref<632x128xf32, #tpu.memory_space<vmem_shared>>
      tpu.wait_dma2 semaphore(%run_scoped3A : memref<!tpu.dma_semaphore, #tpu.memory_space<semaphore_mem>>) src(%dma_wait3A_80 : memref<632x128xf32, #tpu.memory_space<vmem_shared>>) dst(%dma_wait3A_78 : memref<632x128xf32, #tpu.memory_space<hbm>>)
      tpu.yield
    }) : () -> ()
    return
  }
}

#map = affine_map<(d0, d1) -> (0, 0)>
#map1 = affine_map<(d0, d1) -> (0)>
module attributes {stable_mosaic.version = 14 : i64} {
  func.func @_sc_degree(%arg0: i32, %arg1: i32, %arg2: memref<2560x128xi32, #tpu.memory_space<hbm>>, %arg3: memref<10112xf32, #tpu.memory_space<hbm>>, %arg4: memref<128xf32, #tpu.memory_space<hbm>>, %arg5: memref<20224xf32, #tpu.memory_space<hbm>>, %arg6: memref<80x128xi32, #tpu.memory_space<vmem>>, %arg7: memref<128xf32, #tpu.memory_space<vmem>>, %arg8: memref<10112xf32, #tpu.memory_space<vmem_shared>>) attributes {dimension_semantics = [#tpu.dimension_semantics<core_parallel>, #tpu.dimension_semantics<subcore_parallel>], iteration_bounds = array<i64: 2, 16>, scalar_prefetch = 0 : i64, scratch_operands = 3 : i64, tpu.core_type = #tpu.core_type<sc_vector_subcore>, window_params = [{transform_indices = #map}, {transform_indices = #map1}, {transform_indices = #map1}, {transform_indices = #map1}]} {
    %mul3A = arith.constant 2 : i32
    %mul3A_0 = arith.muli %arg1, %mul3A : i32
    %add3A = arith.addi %mul3A_0, %arg0 : i32
    %eq3A = arith.constant 0 : i32
    %eq3A_1 = arith.cmpi eq, %arg1, %eq3A : i32
    %convert_element_type3A = arith.extui %eq3A_1 : i1 to i32
    %cond3A = arith.constant 0 : i32
    %cond3A_2 = arith.cmpi ne, %convert_element_type3A, %cond3A : i32
    scf.if %cond3A_2 {
      "tpu.region"() ({
        %run_scoped3A = tpu.sem_alloc : memref<!tpu.dma_semaphore, #tpu.memory_space<semaphore_mem>>
        tpu.enqueue_dma source(%arg3 : memref<10112xf32, #tpu.memory_space<hbm>>) target(%arg8 : memref<10112xf32, #tpu.memory_space<vmem_shared>>) target_semaphore(%run_scoped3A : memref<!tpu.dma_semaphore, #tpu.memory_space<semaphore_mem>>)
        tpu.wait_dma2 semaphore(%run_scoped3A : memref<!tpu.dma_semaphore, #tpu.memory_space<semaphore_mem>>) src(%arg3 : memref<10112xf32, #tpu.memory_space<hbm>>) dst(%arg8 : memref<10112xf32, #tpu.memory_space<vmem_shared>>)
        tpu.yield
      }) : () -> ()
    } else {
    }
    %mul3A_3 = arith.constant 80 : i32
    %mul3A_4 = arith.muli %add3A, %mul3A_3 : i32
    "tpu.region"() ({
      %run_scoped3A = tpu.sem_alloc : memref<!tpu.dma_semaphore, #tpu.memory_space<semaphore_mem>>
      %dma_start3A = arith.constant 0 : i32
      %dma_start3A_16 = tpu.memref_slice %arg2[%mul3A_4, %dma_start3A] : memref<2560x128xi32, #tpu.memory_space<hbm>> -> memref<80x128xi32, #tpu.memory_space<hbm>>
      %dma_start3A_17 = arith.constant 0 : i32
      %dma_start3A_18 = tpu.memref_slice %arg2[%mul3A_4, %dma_start3A_17] : memref<2560x128xi32, #tpu.memory_space<hbm>> -> memref<80x128xi32, #tpu.memory_space<hbm>>
      tpu.enqueue_dma source(%dma_start3A_18 : memref<80x128xi32, #tpu.memory_space<hbm>>) target(%arg6 : memref<80x128xi32, #tpu.memory_space<vmem>>) target_semaphore(%run_scoped3A : memref<!tpu.dma_semaphore, #tpu.memory_space<semaphore_mem>>)
      %dma_wait3A = arith.constant 0 : i32
      %dma_wait3A_19 = tpu.memref_slice %arg2[%mul3A_4, %dma_wait3A] : memref<2560x128xi32, #tpu.memory_space<hbm>> -> memref<80x128xi32, #tpu.memory_space<hbm>>
      %dma_wait3A_20 = arith.constant 0 : i32
      %dma_wait3A_21 = tpu.memref_slice %arg2[%mul3A_4, %dma_wait3A_20] : memref<2560x128xi32, #tpu.memory_space<hbm>> -> memref<80x128xi32, #tpu.memory_space<hbm>>
      tpu.wait_dma2 semaphore(%run_scoped3A : memref<!tpu.dma_semaphore, #tpu.memory_space<semaphore_mem>>) src(%dma_wait3A_21 : memref<80x128xi32, #tpu.memory_space<hbm>>) dst(%arg6 : memref<80x128xi32, #tpu.memory_space<vmem>>)
      tpu.yield
    }) : () -> ()
    "tpu.region"() ({
      %run_scoped3A = tpu.sem_alloc : memref<!tpu.dma_semaphore, #tpu.memory_space<semaphore_mem>>
      tpu.enqueue_dma source(%arg4 : memref<128xf32, #tpu.memory_space<hbm>>) target(%arg7 : memref<128xf32, #tpu.memory_space<vmem>>) target_semaphore(%run_scoped3A : memref<!tpu.dma_semaphore, #tpu.memory_space<semaphore_mem>>)
      tpu.wait_dma2 semaphore(%run_scoped3A : memref<!tpu.dma_semaphore, #tpu.memory_space<semaphore_mem>>) src(%arg4 : memref<128xf32, #tpu.memory_space<hbm>>) dst(%arg7 : memref<128xf32, #tpu.memory_space<vmem>>)
      tpu.yield
    }) : () -> ()
    %barrier3A = arith.constant 0 : index
    tpu.barrier barrier_id(%barrier3A)
    %scan3A = arith.constant 0 : i32
    %scan3A_5 = arith.constant 0 : i32
    %scan3A_6 = arith.constant 80 : i32
    %scan3A_7 = arith.addi %scan3A_5, %scan3A_6 : i32
    %scan3A_8 = arith.constant 1 : i32
    scf.for %scan3A_16 = %scan3A_5 to %scan3A_7 step %scan3A_8  : i32 {
      "tpu.region"() ({
        %run_scoped3A = tpu.sem_alloc : memref<!tpu.dma_semaphore, #tpu.memory_space<semaphore_mem>>
        %dma_start3A = arith.constant 0 : i32
        %dma_start3A_17 = tpu.memref_slice %arg6[%scan3A_16, %dma_start3A] : memref<80x128xi32, #tpu.memory_space<vmem>> -> memref<1x128xi32, #tpu.memory_space<vmem>>
        %dma_start3A_18 = tpu.memref_squeeze %dma_start3A_17 : memref<1x128xi32, #tpu.memory_space<vmem>> -> memref<128xi32, #tpu.memory_space<vmem>>
        %dma_start3A_19 = arith.constant 0 : i32
        %dma_start3A_20 = tpu.memref_slice %arg8[%dma_start3A_19] : memref<10112xf32, #tpu.memory_space<vmem_shared>> -> memref<10112xf32, #tpu.memory_space<vmem_shared>>
        tpu.enqueue_indirect_dma source(%arg7 : memref<128xf32, #tpu.memory_space<vmem>>) target(%dma_start3A_20 : memref<10112xf32, #tpu.memory_space<vmem_shared>>) offsets(%dma_start3A_18 : memref<128xi32, #tpu.memory_space<vmem>>) semaphore(%run_scoped3A : memref<!tpu.dma_semaphore, #tpu.memory_space<semaphore_mem>>) {add = true}
        %dma_wait3A = arith.constant 0 : i32
        %dma_wait3A_21 = tpu.memref_slice %arg6[%scan3A_16, %dma_wait3A] : memref<80x128xi32, #tpu.memory_space<vmem>> -> memref<1x128xi32, #tpu.memory_space<vmem>>
        %dma_wait3A_22 = tpu.memref_squeeze %dma_wait3A_21 : memref<1x128xi32, #tpu.memory_space<vmem>> -> memref<128xi32, #tpu.memory_space<vmem>>
        %dma_wait3A_23 = arith.constant 0 : i32
        %dma_wait3A_24 = tpu.memref_slice %arg8[%dma_wait3A_23] : memref<10112xf32, #tpu.memory_space<vmem_shared>> -> memref<10112xf32, #tpu.memory_space<vmem_shared>>
        tpu.wait_indirect_dma semaphore(%run_scoped3A : memref<!tpu.dma_semaphore, #tpu.memory_space<semaphore_mem>>) src(%arg7 : memref<128xf32, #tpu.memory_space<vmem>>) dst(%dma_wait3A_24 : memref<10112xf32, #tpu.memory_space<vmem_shared>>)
        tpu.yield
      }) : () -> ()
    }
    %scan3A_9 = arith.constant 80 : i32
    %barrier3A_10 = arith.constant 0 : index
    tpu.barrier barrier_id(%barrier3A_10)
    %eq3A_11 = arith.constant 0 : i32
    %eq3A_12 = arith.cmpi eq, %arg1, %eq3A_11 : i32
    %convert_element_type3A_13 = arith.extui %eq3A_12 : i1 to i32
    %cond3A_14 = arith.constant 0 : i32
    %cond3A_15 = arith.cmpi ne, %convert_element_type3A_13, %cond3A_14 : i32
    scf.if %cond3A_15 {
      %mul3A_16 = arith.constant 10112 : i32
      %mul3A_17 = arith.muli %arg0, %mul3A_16 : i32
      "tpu.region"() ({
        %run_scoped3A = tpu.sem_alloc : memref<!tpu.dma_semaphore, #tpu.memory_space<semaphore_mem>>
        %dma_start3A = tpu.memref_slice %arg5[%mul3A_17] : memref<20224xf32, #tpu.memory_space<hbm>> -> memref<10112xf32, #tpu.memory_space<hbm>>
        tpu.enqueue_dma source(%arg8 : memref<10112xf32, #tpu.memory_space<vmem_shared>>) target(%dma_start3A : memref<10112xf32, #tpu.memory_space<hbm>>) target_semaphore(%run_scoped3A : memref<!tpu.dma_semaphore, #tpu.memory_space<semaphore_mem>>)
        %dma_wait3A = tpu.memref_slice %arg5[%mul3A_17] : memref<20224xf32, #tpu.memory_space<hbm>> -> memref<10112xf32, #tpu.memory_space<hbm>>
        tpu.wait_dma2 semaphore(%run_scoped3A : memref<!tpu.dma_semaphore, #tpu.memory_space<semaphore_mem>>) src(%arg8 : memref<10112xf32, #tpu.memory_space<vmem_shared>>) dst(%dma_wait3A : memref<10112xf32, #tpu.memory_space<hbm>>)
        tpu.yield
      }) : () -> ()
    } else {
    }
    return
  }
}

#map = affine_map<(d0, d1) -> (0, 0)>
#map1 = affine_map<(d0, d1) -> (0, 0, 0)>
module attributes {stable_mosaic.version = 14 : i64} {
  func.func @_sc_aggregate(%arg0: i32, %arg1: i32, %arg2: memref<10000x128xf32, #tpu.memory_space<hbm>>, %arg3: memref<2560x128xi32, #tpu.memory_space<hbm>>, %arg4: memref<2560x128xi32, #tpu.memory_space<hbm>>, %arg5: memref<10112x128xf32, #tpu.memory_space<hbm>>, %arg6: memref<2x10112x128xf32, #tpu.memory_space<hbm>>, %arg7: memref<40x128xi32, #tpu.memory_space<vmem>>, %arg8: memref<40x128xi32, #tpu.memory_space<vmem>>, %arg9: memref<128x128xf32, #tpu.memory_space<vmem>>, %arg10: memref<128x128xf32, #tpu.memory_space<vmem>>, %arg11: memref<10112x128xf32, #tpu.memory_space<vmem_shared>>, %arg12: memref<!tpu.dma_semaphore, #tpu.memory_space<semaphore_mem>>, %arg13: memref<!tpu.dma_semaphore, #tpu.memory_space<semaphore_mem>>, %arg14: memref<!tpu.dma_semaphore, #tpu.memory_space<semaphore_mem>>, %arg15: memref<!tpu.dma_semaphore, #tpu.memory_space<semaphore_mem>>) attributes {dimension_semantics = [#tpu.dimension_semantics<core_parallel>, #tpu.dimension_semantics<subcore_parallel>], iteration_bounds = array<i64: 2, 16>, scalar_prefetch = 0 : i64, scratch_operands = 9 : i64, tpu.core_type = #tpu.core_type<sc_vector_subcore>, window_params = [{transform_indices = #map}, {transform_indices = #map}, {transform_indices = #map}, {transform_indices = #map}, {transform_indices = #map1}]} {
    %mul3A = arith.constant 2 : i32
    %mul3A_0 = arith.muli %arg1, %mul3A : i32
    %add3A = arith.addi %mul3A_0, %arg0 : i32
    %mul3A_1 = arith.constant 632 : i32
    %mul3A_2 = arith.muli %arg1, %mul3A_1 : i32
    %mul3A_3 = arith.constant 632 : i32
    %mul3A_4 = arith.muli %arg1, %mul3A_3 : i32
    %dma_start3A = arith.constant 0 : i32
    %dma_start3A_5 = tpu.memref_slice %arg11[%mul3A_4, %dma_start3A] : memref<10112x128xf32, #tpu.memory_space<vmem_shared>> -> memref<632x128xf32, #tpu.memory_space<vmem_shared>>
    %dma_start3A_6 = arith.constant 0 : i32
    %dma_start3A_7 = tpu.memref_slice %arg5[%mul3A_2, %dma_start3A_6] : memref<10112x128xf32, #tpu.memory_space<hbm>> -> memref<632x128xf32, #tpu.memory_space<hbm>>
    tpu.enqueue_dma source(%dma_start3A_7 : memref<632x128xf32, #tpu.memory_space<hbm>>) target(%dma_start3A_5 : memref<632x128xf32, #tpu.memory_space<vmem_shared>>) target_semaphore(%arg14 : memref<!tpu.dma_semaphore, #tpu.memory_space<semaphore_mem>>)
    %mul3A_8 = arith.constant 80 : i32
    %mul3A_9 = arith.muli %add3A, %mul3A_8 : i32
    %add3A_10 = arith.constant 0 : i32
    %add3A_11 = arith.addi %mul3A_9, %add3A_10 : i32
    "tpu.region"() ({
      %run_scoped3A = tpu.sem_alloc : memref<!tpu.dma_semaphore, #tpu.memory_space<semaphore_mem>>
      %dma_start3A_71 = arith.constant 0 : i32
      %dma_start3A_72 = tpu.memref_slice %arg3[%add3A_11, %dma_start3A_71] : memref<2560x128xi32, #tpu.memory_space<hbm>> -> memref<40x128xi32, #tpu.memory_space<hbm>>
      %dma_start3A_73 = arith.constant 0 : i32
      %dma_start3A_74 = tpu.memref_slice %arg3[%add3A_11, %dma_start3A_73] : memref<2560x128xi32, #tpu.memory_space<hbm>> -> memref<40x128xi32, #tpu.memory_space<hbm>>
      tpu.enqueue_dma source(%dma_start3A_74 : memref<40x128xi32, #tpu.memory_space<hbm>>) target(%arg7 : memref<40x128xi32, #tpu.memory_space<vmem>>) target_semaphore(%run_scoped3A : memref<!tpu.dma_semaphore, #tpu.memory_space<semaphore_mem>>)
      %dma_wait3A_75 = arith.constant 0 : i32
      %dma_wait3A_76 = tpu.memref_slice %arg3[%add3A_11, %dma_wait3A_75] : memref<2560x128xi32, #tpu.memory_space<hbm>> -> memref<40x128xi32, #tpu.memory_space<hbm>>
      %dma_wait3A_77 = arith.constant 0 : i32
      %dma_wait3A_78 = tpu.memref_slice %arg3[%add3A_11, %dma_wait3A_77] : memref<2560x128xi32, #tpu.memory_space<hbm>> -> memref<40x128xi32, #tpu.memory_space<hbm>>
      tpu.wait_dma2 semaphore(%run_scoped3A : memref<!tpu.dma_semaphore, #tpu.memory_space<semaphore_mem>>) src(%dma_wait3A_78 : memref<40x128xi32, #tpu.memory_space<hbm>>) dst(%arg7 : memref<40x128xi32, #tpu.memory_space<vmem>>)
      tpu.yield
    }) : () -> ()
    %mul3A_12 = arith.constant 80 : i32
    %mul3A_13 = arith.muli %add3A, %mul3A_12 : i32
    %add3A_14 = arith.constant 0 : i32
    %add3A_15 = arith.addi %mul3A_13, %add3A_14 : i32
    "tpu.region"() ({
      %run_scoped3A = tpu.sem_alloc : memref<!tpu.dma_semaphore, #tpu.memory_space<semaphore_mem>>
      %dma_start3A_71 = arith.constant 0 : i32
      %dma_start3A_72 = tpu.memref_slice %arg4[%add3A_15, %dma_start3A_71] : memref<2560x128xi32, #tpu.memory_space<hbm>> -> memref<40x128xi32, #tpu.memory_space<hbm>>
      %dma_start3A_73 = arith.constant 0 : i32
      %dma_start3A_74 = tpu.memref_slice %arg4[%add3A_15, %dma_start3A_73] : memref<2560x128xi32, #tpu.memory_space<hbm>> -> memref<40x128xi32, #tpu.memory_space<hbm>>
      tpu.enqueue_dma source(%dma_start3A_74 : memref<40x128xi32, #tpu.memory_space<hbm>>) target(%arg8 : memref<40x128xi32, #tpu.memory_space<vmem>>) target_semaphore(%run_scoped3A : memref<!tpu.dma_semaphore, #tpu.memory_space<semaphore_mem>>)
      %dma_wait3A_75 = arith.constant 0 : i32
      %dma_wait3A_76 = tpu.memref_slice %arg4[%add3A_15, %dma_wait3A_75] : memref<2560x128xi32, #tpu.memory_space<hbm>> -> memref<40x128xi32, #tpu.memory_space<hbm>>
      %dma_wait3A_77 = arith.constant 0 : i32
      %dma_wait3A_78 = tpu.memref_slice %arg4[%add3A_15, %dma_wait3A_77] : memref<2560x128xi32, #tpu.memory_space<hbm>> -> memref<40x128xi32, #tpu.memory_space<hbm>>
      tpu.wait_dma2 semaphore(%run_scoped3A : memref<!tpu.dma_semaphore, #tpu.memory_space<semaphore_mem>>) src(%dma_wait3A_78 : memref<40x128xi32, #tpu.memory_space<hbm>>) dst(%arg8 : memref<40x128xi32, #tpu.memory_space<vmem>>)
      tpu.yield
    }) : () -> ()
    %dma_wait3A = arith.constant 0 : i32
    %dma_wait3A_16 = tpu.memref_slice %arg11[%mul3A_4, %dma_wait3A] : memref<10112x128xf32, #tpu.memory_space<vmem_shared>> -> memref<632x128xf32, #tpu.memory_space<vmem_shared>>
    %dma_wait3A_17 = arith.constant 0 : i32
    %dma_wait3A_18 = tpu.memref_slice %arg5[%mul3A_2, %dma_wait3A_17] : memref<10112x128xf32, #tpu.memory_space<hbm>> -> memref<632x128xf32, #tpu.memory_space<hbm>>
    tpu.wait_dma2 semaphore(%arg14 : memref<!tpu.dma_semaphore, #tpu.memory_space<semaphore_mem>>) src(%dma_wait3A_18 : memref<632x128xf32, #tpu.memory_space<hbm>>) dst(%dma_wait3A_16 : memref<632x128xf32, #tpu.memory_space<vmem_shared>>)
    %barrier3A = arith.constant 0 : index
    tpu.barrier barrier_id(%barrier3A)
    %dma_start3A_19 = arith.constant 0 : i32
    %dma_start3A_20 = arith.constant 0 : i32
    %dma_start3A_21 = tpu.memref_slice %arg7[%dma_start3A_19, %dma_start3A_20] : memref<40x128xi32, #tpu.memory_space<vmem>> -> memref<1x128xi32, #tpu.memory_space<vmem>>
    %dma_start3A_22 = tpu.memref_squeeze %dma_start3A_21 : memref<1x128xi32, #tpu.memory_space<vmem>> -> memref<128xi32, #tpu.memory_space<vmem>>
    %dma_start3A_23 = arith.constant 0 : i32
    %dma_start3A_24 = arith.constant 0 : i32
    %dma_start3A_25 = tpu.memref_slice %arg2[%dma_start3A_23, %dma_start3A_24] : memref<10000x128xf32, #tpu.memory_space<hbm>> -> memref<10000x128xf32, #tpu.memory_space<hbm>>
    tpu.enqueue_indirect_dma source(%dma_start3A_25 : memref<10000x128xf32, #tpu.memory_space<hbm>>) target(%arg9 : memref<128x128xf32, #tpu.memory_space<vmem>>) offsets(%dma_start3A_22 : memref<128xi32, #tpu.memory_space<vmem>>) semaphore(%arg12 : memref<!tpu.dma_semaphore, #tpu.memory_space<semaphore_mem>>)
    %dma_start3A_26 = arith.constant 1 : i32
    %dma_start3A_27 = arith.constant 0 : i32
    %dma_start3A_28 = tpu.memref_slice %arg7[%dma_start3A_26, %dma_start3A_27] : memref<40x128xi32, #tpu.memory_space<vmem>> -> memref<1x128xi32, #tpu.memory_space<vmem>>
    %dma_start3A_29 = tpu.memref_squeeze %dma_start3A_28 : memref<1x128xi32, #tpu.memory_space<vmem>> -> memref<128xi32, #tpu.memory_space<vmem>>
    %dma_start3A_30 = arith.constant 0 : i32
    %dma_start3A_31 = arith.constant 0 : i32
    %dma_start3A_32 = tpu.memref_slice %arg2[%dma_start3A_30, %dma_start3A_31] : memref<10000x128xf32, #tpu.memory_space<hbm>> -> memref<10000x128xf32, #tpu.memory_space<hbm>>
    tpu.enqueue_indirect_dma source(%dma_start3A_32 : memref<10000x128xf32, #tpu.memory_space<hbm>>) target(%arg10 : memref<128x128xf32, #tpu.memory_space<vmem>>) offsets(%dma_start3A_29 : memref<128xi32, #tpu.memory_space<vmem>>) semaphore(%arg13 : memref<!tpu.dma_semaphore, #tpu.memory_space<semaphore_mem>>)
    %scan3A = arith.constant 0 : i32
    %scan3A_33 = arith.constant 0 : i32
    %scan3A_34 = arith.constant 20 : i32
    %scan3A_35 = arith.addi %scan3A_33, %scan3A_34 : i32
    %scan3A_36 = arith.constant 1 : i32
    scf.for %scan3A_71 = %scan3A_33 to %scan3A_35 step %scan3A_36  : i32 {
      %mul3A_72 = arith.constant 2 : i32
      %mul3A_73 = arith.muli %mul3A_72, %scan3A_71 : i32
      %add3A_74 = arith.constant 1 : i32
      %add3A_75 = arith.addi %mul3A_73, %add3A_74 : i32
      %dma_wait3A_76 = arith.constant 0 : i32
      %dma_wait3A_77 = arith.constant 0 : i32
      %dma_wait3A_78 = tpu.memref_slice %arg2[%dma_wait3A_76, %dma_wait3A_77] : memref<10000x128xf32, #tpu.memory_space<hbm>> -> memref<128x128xf32, #tpu.memory_space<hbm>>
      %dma_wait3A_79 = arith.constant 0 : i32
      %dma_wait3A_80 = arith.constant 0 : i32
      %dma_wait3A_81 = tpu.memref_slice %arg2[%dma_wait3A_79, %dma_wait3A_80] : memref<10000x128xf32, #tpu.memory_space<hbm>> -> memref<128x128xf32, #tpu.memory_space<hbm>>
      tpu.wait_dma2 semaphore(%arg12 : memref<!tpu.dma_semaphore, #tpu.memory_space<semaphore_mem>>) src(%dma_wait3A_81 : memref<128x128xf32, #tpu.memory_space<hbm>>) dst(%arg9 : memref<128x128xf32, #tpu.memory_space<vmem>>)
      "tpu.region"() ({
        %run_scoped3A = tpu.sem_alloc : memref<!tpu.dma_semaphore, #tpu.memory_space<semaphore_mem>>
        %dma_start3A_99 = arith.constant 0 : i32
        %dma_start3A_100 = tpu.memref_slice %arg8[%mul3A_73, %dma_start3A_99] : memref<40x128xi32, #tpu.memory_space<vmem>> -> memref<1x128xi32, #tpu.memory_space<vmem>>
        %dma_start3A_101 = tpu.memref_squeeze %dma_start3A_100 : memref<1x128xi32, #tpu.memory_space<vmem>> -> memref<128xi32, #tpu.memory_space<vmem>>
        %dma_start3A_102 = arith.constant 0 : i32
        %dma_start3A_103 = arith.constant 0 : i32
        %dma_start3A_104 = tpu.memref_slice %arg11[%dma_start3A_102, %dma_start3A_103] : memref<10112x128xf32, #tpu.memory_space<vmem_shared>> -> memref<10112x128xf32, #tpu.memory_space<vmem_shared>>
        tpu.enqueue_indirect_dma source(%arg9 : memref<128x128xf32, #tpu.memory_space<vmem>>) target(%dma_start3A_104 : memref<10112x128xf32, #tpu.memory_space<vmem_shared>>) offsets(%dma_start3A_101 : memref<128xi32, #tpu.memory_space<vmem>>) semaphore(%run_scoped3A : memref<!tpu.dma_semaphore, #tpu.memory_space<semaphore_mem>>) {add = true}
        %dma_wait3A_105 = arith.constant 0 : i32
        %dma_wait3A_106 = tpu.memref_slice %arg8[%mul3A_73, %dma_wait3A_105] : memref<40x128xi32, #tpu.memory_space<vmem>> -> memref<1x128xi32, #tpu.memory_space<vmem>>
        %dma_wait3A_107 = tpu.memref_squeeze %dma_wait3A_106 : memref<1x128xi32, #tpu.memory_space<vmem>> -> memref<128xi32, #tpu.memory_space<vmem>>
        %dma_wait3A_108 = arith.constant 0 : i32
        %dma_wait3A_109 = arith.constant 0 : i32
        %dma_wait3A_110 = tpu.memref_slice %arg11[%dma_wait3A_108, %dma_wait3A_109] : memref<10112x128xf32, #tpu.memory_space<vmem_shared>> -> memref<10112x128xf32, #tpu.memory_space<vmem_shared>>
        tpu.wait_indirect_dma semaphore(%run_scoped3A : memref<!tpu.dma_semaphore, #tpu.memory_space<semaphore_mem>>) src(%arg9 : memref<128x128xf32, #tpu.memory_space<vmem>>) dst(%dma_wait3A_110 : memref<10112x128xf32, #tpu.memory_space<vmem_shared>>)
        tpu.yield
      }) : () -> ()
      %add3A_82 = arith.constant 2 : i32
      %add3A_83 = arith.addi %mul3A_73, %add3A_82 : i32
      %lt3A = arith.constant 40 : i32
      %lt3A_84 = arith.cmpi slt, %add3A_83, %lt3A : i32
      %convert_element_type3A = arith.extui %lt3A_84 : i1 to i32
      %cond3A = arith.constant 0 : i32
      %cond3A_85 = arith.cmpi ne, %convert_element_type3A, %cond3A : i32
      scf.if %cond3A_85 {
        %add3A_99 = arith.constant 2 : i32
        %add3A_100 = arith.addi %mul3A_73, %add3A_99 : i32
        %dma_start3A_101 = arith.constant 0 : i32
        %dma_start3A_102 = tpu.memref_slice %arg7[%add3A_100, %dma_start3A_101] : memref<40x128xi32, #tpu.memory_space<vmem>> -> memref<1x128xi32, #tpu.memory_space<vmem>>
        %dma_start3A_103 = tpu.memref_squeeze %dma_start3A_102 : memref<1x128xi32, #tpu.memory_space<vmem>> -> memref<128xi32, #tpu.memory_space<vmem>>
        %dma_start3A_104 = arith.constant 0 : i32
        %dma_start3A_105 = arith.constant 0 : i32
        %dma_start3A_106 = tpu.memref_slice %arg2[%dma_start3A_104, %dma_start3A_105] : memref<10000x128xf32, #tpu.memory_space<hbm>> -> memref<10000x128xf32, #tpu.memory_space<hbm>>
        tpu.enqueue_indirect_dma source(%dma_start3A_106 : memref<10000x128xf32, #tpu.memory_space<hbm>>) target(%arg9 : memref<128x128xf32, #tpu.memory_space<vmem>>) offsets(%dma_start3A_103 : memref<128xi32, #tpu.memory_space<vmem>>) semaphore(%arg12 : memref<!tpu.dma_semaphore, #tpu.memory_space<semaphore_mem>>)
      } else {
      }
      %dma_wait3A_86 = arith.constant 0 : i32
      %dma_wait3A_87 = arith.constant 0 : i32
      %dma_wait3A_88 = tpu.memref_slice %arg2[%dma_wait3A_86, %dma_wait3A_87] : memref<10000x128xf32, #tpu.memory_space<hbm>> -> memref<128x128xf32, #tpu.memory_space<hbm>>
      %dma_wait3A_89 = arith.constant 0 : i32
      %dma_wait3A_90 = arith.constant 0 : i32
      %dma_wait3A_91 = tpu.memref_slice %arg2[%dma_wait3A_89, %dma_wait3A_90] : memref<10000x128xf32, #tpu.memory_space<hbm>> -> memref<128x128xf32, #tpu.memory_space<hbm>>
      tpu.wait_dma2 semaphore(%arg13 : memref<!tpu.dma_semaphore, #tpu.memory_space<semaphore_mem>>) src(%dma_wait3A_91 : memref<128x128xf32, #tpu.memory_space<hbm>>) dst(%arg10 : memref<128x128xf32, #tpu.memory_space<vmem>>)
      "tpu.region"() ({
        %run_scoped3A = tpu.sem_alloc : memref<!tpu.dma_semaphore, #tpu.memory_space<semaphore_mem>>
        %dma_start3A_99 = arith.constant 0 : i32
        %dma_start3A_100 = tpu.memref_slice %arg8[%add3A_75, %dma_start3A_99] : memref<40x128xi32, #tpu.memory_space<vmem>> -> memref<1x128xi32, #tpu.memory_space<vmem>>
        %dma_start3A_101 = tpu.memref_squeeze %dma_start3A_100 : memref<1x128xi32, #tpu.memory_space<vmem>> -> memref<128xi32, #tpu.memory_space<vmem>>
        %dma_start3A_102 = arith.constant 0 : i32
        %dma_start3A_103 = arith.constant 0 : i32
        %dma_start3A_104 = tpu.memref_slice %arg11[%dma_start3A_102, %dma_start3A_103] : memref<10112x128xf32, #tpu.memory_space<vmem_shared>> -> memref<10112x128xf32, #tpu.memory_space<vmem_shared>>
        tpu.enqueue_indirect_dma source(%arg10 : memref<128x128xf32, #tpu.memory_space<vmem>>) target(%dma_start3A_104 : memref<10112x128xf32, #tpu.memory_space<vmem_shared>>) offsets(%dma_start3A_101 : memref<128xi32, #tpu.memory_space<vmem>>) semaphore(%run_scoped3A : memref<!tpu.dma_semaphore, #tpu.memory_space<semaphore_mem>>) {add = true}
        %dma_wait3A_105 = arith.constant 0 : i32
        %dma_wait3A_106 = tpu.memref_slice %arg8[%add3A_75, %dma_wait3A_105] : memref<40x128xi32, #tpu.memory_space<vmem>> -> memref<1x128xi32, #tpu.memory_space<vmem>>
        %dma_wait3A_107 = tpu.memref_squeeze %dma_wait3A_106 : memref<1x128xi32, #tpu.memory_space<vmem>> -> memref<128xi32, #tpu.memory_space<vmem>>
        %dma_wait3A_108 = arith.constant 0 : i32
        %dma_wait3A_109 = arith.constant 0 : i32
        %dma_wait3A_110 = tpu.memref_slice %arg11[%dma_wait3A_108, %dma_wait3A_109] : memref<10112x128xf32, #tpu.memory_space<vmem_shared>> -> memref<10112x128xf32, #tpu.memory_space<vmem_shared>>
        tpu.wait_indirect_dma semaphore(%run_scoped3A : memref<!tpu.dma_semaphore, #tpu.memory_space<semaphore_mem>>) src(%arg10 : memref<128x128xf32, #tpu.memory_space<vmem>>) dst(%dma_wait3A_110 : memref<10112x128xf32, #tpu.memory_space<vmem_shared>>)
        tpu.yield
      }) : () -> ()
      %add3A_92 = arith.constant 2 : i32
      %add3A_93 = arith.addi %add3A_75, %add3A_92 : i32
      %lt3A_94 = arith.constant 40 : i32
      %lt3A_95 = arith.cmpi slt, %add3A_93, %lt3A_94 : i32
      %convert_element_type3A_96 = arith.extui %lt3A_95 : i1 to i32
      %cond3A_97 = arith.constant 0 : i32
      %cond3A_98 = arith.cmpi ne, %convert_element_type3A_96, %cond3A_97 : i32
      scf.if %cond3A_98 {
        %add3A_99 = arith.constant 2 : i32
        %add3A_100 = arith.addi %add3A_75, %add3A_99 : i32
        %dma_start3A_101 = arith.constant 0 : i32
        %dma_start3A_102 = tpu.memref_slice %arg7[%add3A_100, %dma_start3A_101] : memref<40x128xi32, #tpu.memory_space<vmem>> -> memref<1x128xi32, #tpu.memory_space<vmem>>
        %dma_start3A_103 = tpu.memref_squeeze %dma_start3A_102 : memref<1x128xi32, #tpu.memory_space<vmem>> -> memref<128xi32, #tpu.memory_space<vmem>>
        %dma_start3A_104 = arith.constant 0 : i32
        %dma_start3A_105 = arith.constant 0 : i32
        %dma_start3A_106 = tpu.memref_slice %arg2[%dma_start3A_104, %dma_start3A_105] : memref<10000x128xf32, #tpu.memory_space<hbm>> -> memref<10000x128xf32, #tpu.memory_space<hbm>>
        tpu.enqueue_indirect_dma source(%dma_start3A_106 : memref<10000x128xf32, #tpu.memory_space<hbm>>) target(%arg10 : memref<128x128xf32, #tpu.memory_space<vmem>>) offsets(%dma_start3A_103 : memref<128xi32, #tpu.memory_space<vmem>>) semaphore(%arg13 : memref<!tpu.dma_semaphore, #tpu.memory_space<semaphore_mem>>)
      } else {
      }
    }
    %scan3A_37 = arith.constant 20 : i32
    %mul3A_38 = arith.constant 80 : i32
    %mul3A_39 = arith.muli %add3A, %mul3A_38 : i32
    %add3A_40 = arith.constant 40 : i32
    %add3A_41 = arith.addi %mul3A_39, %add3A_40 : i32
    "tpu.region"() ({
      %run_scoped3A = tpu.sem_alloc : memref<!tpu.dma_semaphore, #tpu.memory_space<semaphore_mem>>
      %dma_start3A_71 = arith.constant 0 : i32
      %dma_start3A_72 = tpu.memref_slice %arg3[%add3A_41, %dma_start3A_71] : memref<2560x128xi32, #tpu.memory_space<hbm>> -> memref<40x128xi32, #tpu.memory_space<hbm>>
      %dma_start3A_73 = arith.constant 0 : i32
      %dma_start3A_74 = tpu.memref_slice %arg3[%add3A_41, %dma_start3A_73] : memref<2560x128xi32, #tpu.memory_space<hbm>> -> memref<40x128xi32, #tpu.memory_space<hbm>>
      tpu.enqueue_dma source(%dma_start3A_74 : memref<40x128xi32, #tpu.memory_space<hbm>>) target(%arg7 : memref<40x128xi32, #tpu.memory_space<vmem>>) target_semaphore(%run_scoped3A : memref<!tpu.dma_semaphore, #tpu.memory_space<semaphore_mem>>)
      %dma_wait3A_75 = arith.constant 0 : i32
      %dma_wait3A_76 = tpu.memref_slice %arg3[%add3A_41, %dma_wait3A_75] : memref<2560x128xi32, #tpu.memory_space<hbm>> -> memref<40x128xi32, #tpu.memory_space<hbm>>
      %dma_wait3A_77 = arith.constant 0 : i32
      %dma_wait3A_78 = tpu.memref_slice %arg3[%add3A_41, %dma_wait3A_77] : memref<2560x128xi32, #tpu.memory_space<hbm>> -> memref<40x128xi32, #tpu.memory_space<hbm>>
      tpu.wait_dma2 semaphore(%run_scoped3A : memref<!tpu.dma_semaphore, #tpu.memory_space<semaphore_mem>>) src(%dma_wait3A_78 : memref<40x128xi32, #tpu.memory_space<hbm>>) dst(%arg7 : memref<40x128xi32, #tpu.memory_space<vmem>>)
      tpu.yield
    }) : () -> ()
    %mul3A_42 = arith.constant 80 : i32
    %mul3A_43 = arith.muli %add3A, %mul3A_42 : i32
    %add3A_44 = arith.constant 40 : i32
    %add3A_45 = arith.addi %mul3A_43, %add3A_44 : i32
    "tpu.region"() ({
      %run_scoped3A = tpu.sem_alloc : memref<!tpu.dma_semaphore, #tpu.memory_space<semaphore_mem>>
      %dma_start3A_71 = arith.constant 0 : i32
      %dma_start3A_72 = tpu.memref_slice %arg4[%add3A_45, %dma_start3A_71] : memref<2560x128xi32, #tpu.memory_space<hbm>> -> memref<40x128xi32, #tpu.memory_space<hbm>>
      %dma_start3A_73 = arith.constant 0 : i32
      %dma_start3A_74 = tpu.memref_slice %arg4[%add3A_45, %dma_start3A_73] : memref<2560x128xi32, #tpu.memory_space<hbm>> -> memref<40x128xi32, #tpu.memory_space<hbm>>
      tpu.enqueue_dma source(%dma_start3A_74 : memref<40x128xi32, #tpu.memory_space<hbm>>) target(%arg8 : memref<40x128xi32, #tpu.memory_space<vmem>>) target_semaphore(%run_scoped3A : memref<!tpu.dma_semaphore, #tpu.memory_space<semaphore_mem>>)
      %dma_wait3A_75 = arith.constant 0 : i32
      %dma_wait3A_76 = tpu.memref_slice %arg4[%add3A_45, %dma_wait3A_75] : memref<2560x128xi32, #tpu.memory_space<hbm>> -> memref<40x128xi32, #tpu.memory_space<hbm>>
      %dma_wait3A_77 = arith.constant 0 : i32
      %dma_wait3A_78 = tpu.memref_slice %arg4[%add3A_45, %dma_wait3A_77] : memref<2560x128xi32, #tpu.memory_space<hbm>> -> memref<40x128xi32, #tpu.memory_space<hbm>>
      tpu.wait_dma2 semaphore(%run_scoped3A : memref<!tpu.dma_semaphore, #tpu.memory_space<semaphore_mem>>) src(%dma_wait3A_78 : memref<40x128xi32, #tpu.memory_space<hbm>>) dst(%arg8 : memref<40x128xi32, #tpu.memory_space<vmem>>)
      tpu.yield
    }) : () -> ()
    %dma_start3A_46 = arith.constant 0 : i32
    %dma_start3A_47 = arith.constant 0 : i32
    %dma_start3A_48 = tpu.memref_slice %arg7[%dma_start3A_46, %dma_start3A_47] : memref<40x128xi32, #tpu.memory_space<vmem>> -> memref<1x128xi32, #tpu.memory_space<vmem>>
    %dma_start3A_49 = tpu.memref_squeeze %dma_start3A_48 : memref<1x128xi32, #tpu.memory_space<vmem>> -> memref<128xi32, #tpu.memory_space<vmem>>
    %dma_start3A_50 = arith.constant 0 : i32
    %dma_start3A_51 = arith.constant 0 : i32
    %dma_start3A_52 = tpu.memref_slice %arg2[%dma_start3A_50, %dma_start3A_51] : memref<10000x128xf32, #tpu.memory_space<hbm>> -> memref<10000x128xf32, #tpu.memory_space<hbm>>
    tpu.enqueue_indirect_dma source(%dma_start3A_52 : memref<10000x128xf32, #tpu.memory_space<hbm>>) target(%arg9 : memref<128x128xf32, #tpu.memory_space<vmem>>) offsets(%dma_start3A_49 : memref<128xi32, #tpu.memory_space<vmem>>) semaphore(%arg12 : memref<!tpu.dma_semaphore, #tpu.memory_space<semaphore_mem>>)
    %dma_start3A_53 = arith.constant 1 : i32
    %dma_start3A_54 = arith.constant 0 : i32
    %dma_start3A_55 = tpu.memref_slice %arg7[%dma_start3A_53, %dma_start3A_54] : memref<40x128xi32, #tpu.memory_space<vmem>> -> memref<1x128xi32, #tpu.memory_space<vmem>>
    %dma_start3A_56 = tpu.memref_squeeze %dma_start3A_55 : memref<1x128xi32, #tpu.memory_space<vmem>> -> memref<128xi32, #tpu.memory_space<vmem>>
    %dma_start3A_57 = arith.constant 0 : i32
    %dma_start3A_58 = arith.constant 0 : i32
    %dma_start3A_59 = tpu.memref_slice %arg2[%dma_start3A_57, %dma_start3A_58] : memref<10000x128xf32, #tpu.memory_space<hbm>> -> memref<10000x128xf32, #tpu.memory_space<hbm>>
    tpu.enqueue_indirect_dma source(%dma_start3A_59 : memref<10000x128xf32, #tpu.memory_space<hbm>>) target(%arg10 : memref<128x128xf32, #tpu.memory_space<vmem>>) offsets(%dma_start3A_56 : memref<128xi32, #tpu.memory_space<vmem>>) semaphore(%arg13 : memref<!tpu.dma_semaphore, #tpu.memory_space<semaphore_mem>>)
    %scan3A_60 = arith.constant 0 : i32
    %scan3A_61 = arith.constant 0 : i32
    %scan3A_62 = arith.constant 20 : i32
    %scan3A_63 = arith.addi %scan3A_61, %scan3A_62 : i32
    %scan3A_64 = arith.constant 1 : i32
    scf.for %scan3A_71 = %scan3A_61 to %scan3A_63 step %scan3A_64  : i32 {
      %mul3A_72 = arith.constant 2 : i32
      %mul3A_73 = arith.muli %mul3A_72, %scan3A_71 : i32
      %add3A_74 = arith.constant 1 : i32
      %add3A_75 = arith.addi %mul3A_73, %add3A_74 : i32
      %dma_wait3A_76 = arith.constant 0 : i32
      %dma_wait3A_77 = arith.constant 0 : i32
      %dma_wait3A_78 = tpu.memref_slice %arg2[%dma_wait3A_76, %dma_wait3A_77] : memref<10000x128xf32, #tpu.memory_space<hbm>> -> memref<128x128xf32, #tpu.memory_space<hbm>>
      %dma_wait3A_79 = arith.constant 0 : i32
      %dma_wait3A_80 = arith.constant 0 : i32
      %dma_wait3A_81 = tpu.memref_slice %arg2[%dma_wait3A_79, %dma_wait3A_80] : memref<10000x128xf32, #tpu.memory_space<hbm>> -> memref<128x128xf32, #tpu.memory_space<hbm>>
      tpu.wait_dma2 semaphore(%arg12 : memref<!tpu.dma_semaphore, #tpu.memory_space<semaphore_mem>>) src(%dma_wait3A_81 : memref<128x128xf32, #tpu.memory_space<hbm>>) dst(%arg9 : memref<128x128xf32, #tpu.memory_space<vmem>>)
      "tpu.region"() ({
        %run_scoped3A = tpu.sem_alloc : memref<!tpu.dma_semaphore, #tpu.memory_space<semaphore_mem>>
        %dma_start3A_99 = arith.constant 0 : i32
        %dma_start3A_100 = tpu.memref_slice %arg8[%mul3A_73, %dma_start3A_99] : memref<40x128xi32, #tpu.memory_space<vmem>> -> memref<1x128xi32, #tpu.memory_space<vmem>>
        %dma_start3A_101 = tpu.memref_squeeze %dma_start3A_100 : memref<1x128xi32, #tpu.memory_space<vmem>> -> memref<128xi32, #tpu.memory_space<vmem>>
        %dma_start3A_102 = arith.constant 0 : i32
        %dma_start3A_103 = arith.constant 0 : i32
        %dma_start3A_104 = tpu.memref_slice %arg11[%dma_start3A_102, %dma_start3A_103] : memref<10112x128xf32, #tpu.memory_space<vmem_shared>> -> memref<10112x128xf32, #tpu.memory_space<vmem_shared>>
        tpu.enqueue_indirect_dma source(%arg9 : memref<128x128xf32, #tpu.memory_space<vmem>>) target(%dma_start3A_104 : memref<10112x128xf32, #tpu.memory_space<vmem_shared>>) offsets(%dma_start3A_101 : memref<128xi32, #tpu.memory_space<vmem>>) semaphore(%run_scoped3A : memref<!tpu.dma_semaphore, #tpu.memory_space<semaphore_mem>>) {add = true}
        %dma_wait3A_105 = arith.constant 0 : i32
        %dma_wait3A_106 = tpu.memref_slice %arg8[%mul3A_73, %dma_wait3A_105] : memref<40x128xi32, #tpu.memory_space<vmem>> -> memref<1x128xi32, #tpu.memory_space<vmem>>
        %dma_wait3A_107 = tpu.memref_squeeze %dma_wait3A_106 : memref<1x128xi32, #tpu.memory_space<vmem>> -> memref<128xi32, #tpu.memory_space<vmem>>
        %dma_wait3A_108 = arith.constant 0 : i32
        %dma_wait3A_109 = arith.constant 0 : i32
        %dma_wait3A_110 = tpu.memref_slice %arg11[%dma_wait3A_108, %dma_wait3A_109] : memref<10112x128xf32, #tpu.memory_space<vmem_shared>> -> memref<10112x128xf32, #tpu.memory_space<vmem_shared>>
        tpu.wait_indirect_dma semaphore(%run_scoped3A : memref<!tpu.dma_semaphore, #tpu.memory_space<semaphore_mem>>) src(%arg9 : memref<128x128xf32, #tpu.memory_space<vmem>>) dst(%dma_wait3A_110 : memref<10112x128xf32, #tpu.memory_space<vmem_shared>>)
        tpu.yield
      }) : () -> ()
      %add3A_82 = arith.constant 2 : i32
      %add3A_83 = arith.addi %mul3A_73, %add3A_82 : i32
      %lt3A = arith.constant 40 : i32
      %lt3A_84 = arith.cmpi slt, %add3A_83, %lt3A : i32
      %convert_element_type3A = arith.extui %lt3A_84 : i1 to i32
      %cond3A = arith.constant 0 : i32
      %cond3A_85 = arith.cmpi ne, %convert_element_type3A, %cond3A : i32
      scf.if %cond3A_85 {
        %add3A_99 = arith.constant 2 : i32
        %add3A_100 = arith.addi %mul3A_73, %add3A_99 : i32
        %dma_start3A_101 = arith.constant 0 : i32
        %dma_start3A_102 = tpu.memref_slice %arg7[%add3A_100, %dma_start3A_101] : memref<40x128xi32, #tpu.memory_space<vmem>> -> memref<1x128xi32, #tpu.memory_space<vmem>>
        %dma_start3A_103 = tpu.memref_squeeze %dma_start3A_102 : memref<1x128xi32, #tpu.memory_space<vmem>> -> memref<128xi32, #tpu.memory_space<vmem>>
        %dma_start3A_104 = arith.constant 0 : i32
        %dma_start3A_105 = arith.constant 0 : i32
        %dma_start3A_106 = tpu.memref_slice %arg2[%dma_start3A_104, %dma_start3A_105] : memref<10000x128xf32, #tpu.memory_space<hbm>> -> memref<10000x128xf32, #tpu.memory_space<hbm>>
        tpu.enqueue_indirect_dma source(%dma_start3A_106 : memref<10000x128xf32, #tpu.memory_space<hbm>>) target(%arg9 : memref<128x128xf32, #tpu.memory_space<vmem>>) offsets(%dma_start3A_103 : memref<128xi32, #tpu.memory_space<vmem>>) semaphore(%arg12 : memref<!tpu.dma_semaphore, #tpu.memory_space<semaphore_mem>>)
      } else {
      }
      %dma_wait3A_86 = arith.constant 0 : i32
      %dma_wait3A_87 = arith.constant 0 : i32
      %dma_wait3A_88 = tpu.memref_slice %arg2[%dma_wait3A_86, %dma_wait3A_87] : memref<10000x128xf32, #tpu.memory_space<hbm>> -> memref<128x128xf32, #tpu.memory_space<hbm>>
      %dma_wait3A_89 = arith.constant 0 : i32
      %dma_wait3A_90 = arith.constant 0 : i32
      %dma_wait3A_91 = tpu.memref_slice %arg2[%dma_wait3A_89, %dma_wait3A_90] : memref<10000x128xf32, #tpu.memory_space<hbm>> -> memref<128x128xf32, #tpu.memory_space<hbm>>
      tpu.wait_dma2 semaphore(%arg13 : memref<!tpu.dma_semaphore, #tpu.memory_space<semaphore_mem>>) src(%dma_wait3A_91 : memref<128x128xf32, #tpu.memory_space<hbm>>) dst(%arg10 : memref<128x128xf32, #tpu.memory_space<vmem>>)
      "tpu.region"() ({
        %run_scoped3A = tpu.sem_alloc : memref<!tpu.dma_semaphore, #tpu.memory_space<semaphore_mem>>
        %dma_start3A_99 = arith.constant 0 : i32
        %dma_start3A_100 = tpu.memref_slice %arg8[%add3A_75, %dma_start3A_99] : memref<40x128xi32, #tpu.memory_space<vmem>> -> memref<1x128xi32, #tpu.memory_space<vmem>>
        %dma_start3A_101 = tpu.memref_squeeze %dma_start3A_100 : memref<1x128xi32, #tpu.memory_space<vmem>> -> memref<128xi32, #tpu.memory_space<vmem>>
        %dma_start3A_102 = arith.constant 0 : i32
        %dma_start3A_103 = arith.constant 0 : i32
        %dma_start3A_104 = tpu.memref_slice %arg11[%dma_start3A_102, %dma_start3A_103] : memref<10112x128xf32, #tpu.memory_space<vmem_shared>> -> memref<10112x128xf32, #tpu.memory_space<vmem_shared>>
        tpu.enqueue_indirect_dma source(%arg10 : memref<128x128xf32, #tpu.memory_space<vmem>>) target(%dma_start3A_104 : memref<10112x128xf32, #tpu.memory_space<vmem_shared>>) offsets(%dma_start3A_101 : memref<128xi32, #tpu.memory_space<vmem>>) semaphore(%run_scoped3A : memref<!tpu.dma_semaphore, #tpu.memory_space<semaphore_mem>>) {add = true}
        %dma_wait3A_105 = arith.constant 0 : i32
        %dma_wait3A_106 = tpu.memref_slice %arg8[%add3A_75, %dma_wait3A_105] : memref<40x128xi32, #tpu.memory_space<vmem>> -> memref<1x128xi32, #tpu.memory_space<vmem>>
        %dma_wait3A_107 = tpu.memref_squeeze %dma_wait3A_106 : memref<1x128xi32, #tpu.memory_space<vmem>> -> memref<128xi32, #tpu.memory_space<vmem>>
        %dma_wait3A_108 = arith.constant 0 : i32
        %dma_wait3A_109 = arith.constant 0 : i32
        %dma_wait3A_110 = tpu.memref_slice %arg11[%dma_wait3A_108, %dma_wait3A_109] : memref<10112x128xf32, #tpu.memory_space<vmem_shared>> -> memref<10112x128xf32, #tpu.memory_space<vmem_shared>>
        tpu.wait_indirect_dma semaphore(%run_scoped3A : memref<!tpu.dma_semaphore, #tpu.memory_space<semaphore_mem>>) src(%arg10 : memref<128x128xf32, #tpu.memory_space<vmem>>) dst(%dma_wait3A_110 : memref<10112x128xf32, #tpu.memory_space<vmem_shared>>)
        tpu.yield
      }) : () -> ()
      %add3A_92 = arith.constant 2 : i32
      %add3A_93 = arith.addi %add3A_75, %add3A_92 : i32
      %lt3A_94 = arith.constant 40 : i32
      %lt3A_95 = arith.cmpi slt, %add3A_93, %lt3A_94 : i32
      %convert_element_type3A_96 = arith.extui %lt3A_95 : i1 to i32
      %cond3A_97 = arith.constant 0 : i32
      %cond3A_98 = arith.cmpi ne, %convert_element_type3A_96, %cond3A_97 : i32
      scf.if %cond3A_98 {
        %add3A_99 = arith.constant 2 : i32
        %add3A_100 = arith.addi %add3A_75, %add3A_99 : i32
        %dma_start3A_101 = arith.constant 0 : i32
        %dma_start3A_102 = tpu.memref_slice %arg7[%add3A_100, %dma_start3A_101] : memref<40x128xi32, #tpu.memory_space<vmem>> -> memref<1x128xi32, #tpu.memory_space<vmem>>
        %dma_start3A_103 = tpu.memref_squeeze %dma_start3A_102 : memref<1x128xi32, #tpu.memory_space<vmem>> -> memref<128xi32, #tpu.memory_space<vmem>>
        %dma_start3A_104 = arith.constant 0 : i32
        %dma_start3A_105 = arith.constant 0 : i32
        %dma_start3A_106 = tpu.memref_slice %arg2[%dma_start3A_104, %dma_start3A_105] : memref<10000x128xf32, #tpu.memory_space<hbm>> -> memref<10000x128xf32, #tpu.memory_space<hbm>>
        tpu.enqueue_indirect_dma source(%dma_start3A_106 : memref<10000x128xf32, #tpu.memory_space<hbm>>) target(%arg10 : memref<128x128xf32, #tpu.memory_space<vmem>>) offsets(%dma_start3A_103 : memref<128xi32, #tpu.memory_space<vmem>>) semaphore(%arg13 : memref<!tpu.dma_semaphore, #tpu.memory_space<semaphore_mem>>)
      } else {
      }
    }
    %scan3A_65 = arith.constant 20 : i32
    %barrier3A_66 = arith.constant 0 : index
    tpu.barrier barrier_id(%barrier3A_66)
    %mul3A_67 = arith.constant 632 : i32
    %mul3A_68 = arith.muli %arg1, %mul3A_67 : i32
    %mul3A_69 = arith.constant 632 : i32
    %mul3A_70 = arith.muli %arg1, %mul3A_69 : i32
    "tpu.region"() ({
      %run_scoped3A = tpu.sem_alloc : memref<!tpu.dma_semaphore, #tpu.memory_space<semaphore_mem>>
      %dma_start3A_71 = arith.constant 0 : i32
      %dma_start3A_72 = tpu.memref_slice %arg6[%arg0, %mul3A_70, %dma_start3A_71] : memref<2x10112x128xf32, #tpu.memory_space<hbm>> -> memref<1x632x128xf32, #tpu.memory_space<hbm>>
      %dma_start3A_73 = tpu.memref_squeeze %dma_start3A_72 : memref<1x632x128xf32, #tpu.memory_space<hbm>> -> memref<632x128xf32, #tpu.memory_space<hbm>>
      %dma_start3A_74 = arith.constant 0 : i32
      %dma_start3A_75 = tpu.memref_slice %arg11[%mul3A_68, %dma_start3A_74] : memref<10112x128xf32, #tpu.memory_space<vmem_shared>> -> memref<632x128xf32, #tpu.memory_space<vmem_shared>>
      tpu.enqueue_dma source(%dma_start3A_75 : memref<632x128xf32, #tpu.memory_space<vmem_shared>>) target(%dma_start3A_73 : memref<632x128xf32, #tpu.memory_space<hbm>>) target_semaphore(%run_scoped3A : memref<!tpu.dma_semaphore, #tpu.memory_space<semaphore_mem>>)
      %dma_wait3A_76 = arith.constant 0 : i32
      %dma_wait3A_77 = tpu.memref_slice %arg6[%arg0, %mul3A_70, %dma_wait3A_76] : memref<2x10112x128xf32, #tpu.memory_space<hbm>> -> memref<1x632x128xf32, #tpu.memory_space<hbm>>
      %dma_wait3A_78 = tpu.memref_squeeze %dma_wait3A_77 : memref<1x632x128xf32, #tpu.memory_space<hbm>> -> memref<632x128xf32, #tpu.memory_space<hbm>>
      %dma_wait3A_79 = arith.constant 0 : i32
      %dma_wait3A_80 = tpu.memref_slice %arg11[%mul3A_68, %dma_wait3A_79] : memref<10112x128xf32, #tpu.memory_space<vmem_shared>> -> memref<632x128xf32, #tpu.memory_space<vmem_shared>>
      tpu.wait_dma2 semaphore(%run_scoped3A : memref<!tpu.dma_semaphore, #tpu.memory_space<semaphore_mem>>) src(%dma_wait3A_80 : memref<632x128xf32, #tpu.memory_space<vmem_shared>>) dst(%dma_wait3A_78 : memref<632x128xf32, #tpu.memory_space<hbm>>)
      tpu.yield
    }) : () -> ()
    return
  }
}

module attributes {stable_mosaic.version = 14 : i64} {
  func.func @_tc1_body(%arg0: i32, %arg1: memref<1000x128xf32, #tpu.memory_space<vmem>>, %arg2: memref<1000x2xf32, #tpu.memory_space<vmem>>, %arg3: memref<128x128xf32, #tpu.memory_space<vmem>>, %arg4: memref<1000x128xf32, #tpu.memory_space<vmem>>) attributes {dimension_semantics = [#tpu.dimension_semantics<arbitrary>], iteration_bounds = array<i64: 10>, scalar_prefetch = 0 : i64, scratch_operands = 0 : i64, tpu.core_type = #tpu.core_type<tc>, window_params = [{transform_indices = @transform_0, window_bounds = array<i64: 1000, 128>}, {transform_indices = @transform_1, window_bounds = array<i64: 1000, 2>}, {pipeline_mode = #tpu.pipeline_mode<synchronous>, transform_indices = @transform_2, window_bounds = array<i64: 128, 128>}, {transform_indices = @transform_3, window_bounds = array<i64: 1000, 128>}]} {
    %get3A = arith.constant 0 : index
    %get3A_0 = arith.constant 0 : index
    %get3A_1 = vector.load %arg2[%get3A, %get3A_0] : memref<1000x2xf32, #tpu.memory_space<vmem>>, vector<1000x2xf32>
    %slice3A = vector.extract_strided_slice %get3A_1 {offsets = [0, 0], sizes = [1000, 1], strides = [1, 1]} : vector<1000x2xf32> to vector<1000x1xf32>
    %slice3A_2 = vector.extract_strided_slice %get3A_1 {offsets = [0, 1], sizes = [1000, 1], strides = [1, 1]} : vector<1000x2xf32> to vector<1000x1xf32>
    %add3A = arith.addf %slice3A, %slice3A_2 : vector<1000x1xf32>
    %add3A_3 = arith.constant 1.000000e+00 : f32
    %add3A_4 = vector.broadcast %add3A_3 : f32 to vector<1000x1xf32>
    %add3A_5 = arith.addf %add3A, %add3A_4 : vector<1000x1xf32>
    %rsqrt3A = math.rsqrt %add3A_5 : vector<1000x1xf32>
    %get3A_6 = arith.constant 0 : index
    %get3A_7 = arith.constant 0 : index
    %get3A_8 = vector.load %arg1[%get3A_6, %get3A_7] : memref<1000x128xf32, #tpu.memory_space<vmem>>, vector<1000x128xf32>
    %get3A_9 = arith.constant 0 : index
    %get3A_10 = arith.constant 0 : index
    %get3A_11 = vector.load %arg3[%get3A_9, %get3A_10] : memref<128x128xf32, #tpu.memory_space<vmem>>, vector<128x128xf32>
    %dot_general3A = arith.constant dense<0.000000e+00> : vector<1000x128xf32>
    %dot_general3A_12 = tpu.matmul %get3A_8, %get3A_11, %dot_general3A {dimension_numbers = #tpu.dot_dimension_numbers<[1], [0], [0], [1], [0, 0, 1, 1], [], []>, transpose_lhs_hint = false} : vector<1000x128xf32>, vector<128x128xf32>, vector<1000x128xf32> -> vector<1000x128xf32>
    %mul3A = vector.broadcast %rsqrt3A : vector<1000x1xf32> to vector<1000x128xf32>
    %mul3A_13 = arith.mulf %dot_general3A_12, %mul3A : vector<1000x128xf32>
    %swap3A = arith.constant 0 : index
    %swap3A_14 = arith.constant 0 : index
    %swap3A_15 = vector.load %arg4[%swap3A, %swap3A_14] : memref<1000x128xf32, #tpu.memory_space<vmem>>, vector<1000x128xf32>
    tpu.vector_store %arg4[%swap3A, %swap3A_14], %mul3A_13 {strides = array<i32>} : memref<1000x128xf32, #tpu.memory_space<vmem>>, vector<1000x128xf32>,
    return
  }
  func.func @transform_0(%arg0: i32) -> (i32, i32) {
    %c0_i32 = arith.constant 0 : i32
    %c0_i32_0 = arith.constant 0 : i32
    return %arg0, %c0_i32 : i32, i32
  }
  func.func @transform_1(%arg0: i32) -> (i32, i32) {
    %c0_i32 = arith.constant 0 : i32
    %c0_i32_0 = arith.constant 0 : i32
    return %arg0, %c0_i32 : i32, i32
  }
  func.func @transform_2(%arg0: i32) -> (i32, i32) {
    %c0_i32 = arith.constant 0 : i32
    %c0_i32_0 = arith.constant 0 : i32
    %c0_i32_1 = arith.constant 0 : i32
    return %c0_i32, %c0_i32_0 : i32, i32
  }
  func.func @transform_3(%arg0: i32) -> (i32, i32) {
    %c0_i32 = arith.constant 0 : i32
    %c0_i32_0 = arith.constant 0 : i32
    return %arg0, %c0_i32 : i32, i32
  }
}

module attributes {stable_mosaic.version = 14 : i64} {
  func.func @_tc2_body(%arg0: i32, %arg1: memref<1x1000x128xf32, #tpu.memory_space<vmem>>, %arg2: memref<1x1000x128xf32, #tpu.memory_space<vmem>>, %arg3: memref<1000x128xf32, #tpu.memory_space<vmem>>, %arg4: memref<1000x2xf32, #tpu.memory_space<vmem>>, %arg5: memref<1x128xf32, #tpu.memory_space<vmem>>, %arg6: memref<1x128xf32, #tpu.memory_space<vmem>>, %arg7: memref<1x128xf32, #tpu.memory_space<vmem>>, %arg8: memref<128x128xf32, #tpu.memory_space<vmem>>, %arg9: memref<1000x128xf32, #tpu.memory_space<vmem>>) attributes {dimension_semantics = [#tpu.dimension_semantics<arbitrary>], iteration_bounds = array<i64: 10>, scalar_prefetch = 0 : i64, scratch_operands = 0 : i64, tpu.core_type = #tpu.core_type<tc>, window_params = [{transform_indices = @transform_0, window_bounds = array<i64: 1, 1000, 128>}, {transform_indices = @transform_1, window_bounds = array<i64: 1, 1000, 128>}, {transform_indices = @transform_2, window_bounds = array<i64: 1000, 128>}, {transform_indices = @transform_3, window_bounds = array<i64: 1000, 2>}, {pipeline_mode = #tpu.pipeline_mode<synchronous>, transform_indices = @transform_4, window_bounds = array<i64: 1, 128>}, {pipeline_mode = #tpu.pipeline_mode<synchronous>, transform_indices = @transform_5, window_bounds = array<i64: 1, 128>}, {pipeline_mode = #tpu.pipeline_mode<synchronous>, transform_indices = @transform_6, window_bounds = array<i64: 1, 128>}, {pipeline_mode = #tpu.pipeline_mode<synchronous>, transform_indices = @transform_7, window_bounds = array<i64: 128, 128>}, {transform_indices = @transform_8, window_bounds = array<i64: 1000, 128>}]} {
    %get3A = arith.constant 0 : index
    %get3A_0 = arith.constant 0 : index
    %get3A_1 = vector.load %arg4[%get3A, %get3A_0] : memref<1000x2xf32, #tpu.memory_space<vmem>>, vector<1000x2xf32>
    %slice3A = vector.extract_strided_slice %get3A_1 {offsets = [0, 0], sizes = [1000, 1], strides = [1, 1]} : vector<1000x2xf32> to vector<1000x1xf32>
    %slice3A_2 = vector.extract_strided_slice %get3A_1 {offsets = [0, 1], sizes = [1000, 1], strides = [1, 1]} : vector<1000x2xf32> to vector<1000x1xf32>
    %add3A = arith.addf %slice3A, %slice3A_2 : vector<1000x1xf32>
    %add3A_3 = arith.constant 1.000000e+00 : f32
    %add3A_4 = vector.broadcast %add3A_3 : f32 to vector<1000x1xf32>
    %add3A_5 = arith.addf %add3A, %add3A_4 : vector<1000x1xf32>
    %rsqrt3A = math.rsqrt %add3A_5 : vector<1000x1xf32>
    %get3A_6 = arith.constant 0 : index
    %get3A_7 = arith.constant 0 : index
    %get3A_8 = arith.constant 0 : index
    %get3A_9 = vector.load %arg1[%get3A_6, %get3A_7, %get3A_8] : memref<1x1000x128xf32, #tpu.memory_space<vmem>>, vector<1x1000x128xf32>
    %get3A_10 = vector.shape_cast %get3A_9 : vector<1x1000x128xf32> to vector<1000x128xf32>
    %get3A_11 = arith.constant 0 : index
    %get3A_12 = arith.constant 0 : index
    %get3A_13 = arith.constant 0 : index
    %get3A_14 = vector.load %arg2[%get3A_11, %get3A_12, %get3A_13] : memref<1x1000x128xf32, #tpu.memory_space<vmem>>, vector<1x1000x128xf32>
    %get3A_15 = vector.shape_cast %get3A_14 : vector<1x1000x128xf32> to vector<1000x128xf32>
    %get3A_16 = arith.constant 0 : index
    %get3A_17 = arith.constant 0 : index
    %get3A_18 = vector.load %arg3[%get3A_16, %get3A_17] : memref<1000x128xf32, #tpu.memory_space<vmem>>, vector<1000x128xf32>
    %get3A_19 = arith.constant 0 : index
    %get3A_20 = arith.constant 0 : index
    %get3A_21 = vector.load %arg5[%get3A_19, %get3A_20] : memref<1x128xf32, #tpu.memory_space<vmem>>, vector<1x128xf32>
    %get3A_22 = arith.constant 0 : index
    %get3A_23 = arith.constant 0 : index
    %get3A_24 = vector.load %arg6[%get3A_22, %get3A_23] : memref<1x128xf32, #tpu.memory_space<vmem>>, vector<1x128xf32>
    %get3A_25 = arith.constant 0 : index
    %get3A_26 = arith.constant 0 : index
    %get3A_27 = vector.load %arg7[%get3A_25, %get3A_26] : memref<1x128xf32, #tpu.memory_space<vmem>>, vector<1x128xf32>
    %add3A_28 = arith.addf %get3A_10, %get3A_15 : vector<1000x128xf32>
    %add3A_29 = arith.addf %add3A_28, %get3A_18 : vector<1000x128xf32>
    %mul3A = vector.broadcast %rsqrt3A : vector<1000x1xf32> to vector<1000x128xf32>
    %mul3A_30 = arith.mulf %add3A_29, %mul3A : vector<1000x128xf32>
    %add3A_31 = vector.broadcast %get3A_21 : vector<1x128xf32> to vector<1000x128xf32>
    %add3A_32 = arith.addf %mul3A_30, %add3A_31 : vector<1000x128xf32>
    %reduce_sum3A = arith.constant dense<0.000000e+00> : vector<1000xf32>
    %reduce_sum3A_33 = vector.multi_reduction <add>, %add3A_32, %reduce_sum3A [1] : vector<1000x128xf32> to vector<1000xf32>
    %broadcast_in_dim3A = vector.shape_cast %reduce_sum3A_33 : vector<1000xf32> to vector<1000x1xf32>
    %div3A = arith.constant 1.280000e+02 : f32
    %div3A_34 = vector.broadcast %div3A : f32 to vector<1000x1xf32>
    %div3A_35 = arith.divf %broadcast_in_dim3A, %div3A_34 : vector<1000x1xf32>
    %sub3A = vector.broadcast %div3A_35 : vector<1000x1xf32> to vector<1000x128xf32>
    %sub3A_36 = arith.subf %add3A_32, %sub3A : vector<1000x128xf32>
    %mul3A_37 = arith.mulf %sub3A_36, %sub3A_36 : vector<1000x128xf32>
    %reduce_sum3A_38 = arith.constant dense<0.000000e+00> : vector<1000xf32>
    %reduce_sum3A_39 = vector.multi_reduction <add>, %mul3A_37, %reduce_sum3A_38 [1] : vector<1000x128xf32> to vector<1000xf32>
    %broadcast_in_dim3A_40 = vector.shape_cast %reduce_sum3A_39 : vector<1000xf32> to vector<1000x1xf32>
    %div3A_41 = arith.constant 1.280000e+02 : f32
    %div3A_42 = vector.broadcast %div3A_41 : f32 to vector<1000x1xf32>
    %div3A_43 = arith.divf %broadcast_in_dim3A_40, %div3A_42 : vector<1000x1xf32>
    %add3A_44 = arith.constant 9.99999974E-6 : f32
    %add3A_45 = vector.broadcast %add3A_44 : f32 to vector<1000x1xf32>
    %add3A_46 = arith.addf %div3A_43, %add3A_45 : vector<1000x1xf32>
    %rsqrt3A_47 = math.rsqrt %add3A_46 : vector<1000x1xf32>
    %mul3A_48 = vector.broadcast %rsqrt3A_47 : vector<1000x1xf32> to vector<1000x128xf32>
    %mul3A_49 = arith.mulf %sub3A_36, %mul3A_48 : vector<1000x128xf32>
    %mul3A_50 = vector.broadcast %get3A_24 : vector<1x128xf32> to vector<1000x128xf32>
    %mul3A_51 = arith.mulf %mul3A_49, %mul3A_50 : vector<1000x128xf32>
    %add3A_52 = vector.broadcast %get3A_27 : vector<1x128xf32> to vector<1000x128xf32>
    %add3A_53 = arith.addf %mul3A_51, %add3A_52 : vector<1000x128xf32>
    %max3A = arith.constant 0.000000e+00 : f32
    %max3A_54 = vector.broadcast %max3A : f32 to vector<1000x128xf32>
    %max3A_55 = arith.maximumf %add3A_53, %max3A_54 : vector<1000x128xf32>
    %get3A_56 = arith.constant 0 : index
    %get3A_57 = arith.constant 0 : index
    %get3A_58 = vector.load %arg8[%get3A_56, %get3A_57] : memref<128x128xf32, #tpu.memory_space<vmem>>, vector<128x128xf32>
    %dot_general3A = arith.constant dense<0.000000e+00> : vector<1000x128xf32>
    %dot_general3A_59 = tpu.matmul %max3A_55, %get3A_58, %dot_general3A {dimension_numbers = #tpu.dot_dimension_numbers<[1], [0], [0], [1], [0, 0, 1, 1], [], []>, transpose_lhs_hint = false} : vector<1000x128xf32>, vector<128x128xf32>, vector<1000x128xf32> -> vector<1000x128xf32>
    %mul3A_60 = vector.broadcast %rsqrt3A : vector<1000x1xf32> to vector<1000x128xf32>
    %mul3A_61 = arith.mulf %dot_general3A_59, %mul3A_60 : vector<1000x128xf32>
    %swap3A = arith.constant 0 : index
    %swap3A_62 = arith.constant 0 : index
    %swap3A_63 = vector.load %arg9[%swap3A, %swap3A_62] : memref<1000x128xf32, #tpu.memory_space<vmem>>, vector<1000x128xf32>
    tpu.vector_store %arg9[%swap3A, %swap3A_62], %mul3A_61 {strides = array<i32>} : memref<1000x128xf32, #tpu.memory_space<vmem>>, vector<1000x128xf32>,
    return
  }
  func.func @transform_0(%arg0: i32) -> (i32, i32, i32) {
    %c0_i32 = arith.constant 0 : i32
    %c0_i32_0 = arith.constant 0 : i32
    %c0_i32_1 = arith.constant 0 : i32
    return %c0_i32, %arg0, %c0_i32_0 : i32, i32, i32
  }
  func.func @transform_1(%arg0: i32) -> (i32, i32, i32) {
    %c1_i32 = arith.constant 1 : i32
    %c0_i32 = arith.constant 0 : i32
    %c0_i32_0 = arith.constant 0 : i32
    return %c1_i32, %arg0, %c0_i32 : i32, i32, i32
  }
  func.func @transform_2(%arg0: i32) -> (i32, i32) {
    %c0_i32 = arith.constant 0 : i32
    %c0_i32_0 = arith.constant 0 : i32
    return %arg0, %c0_i32 : i32, i32
  }
  func.func @transform_3(%arg0: i32) -> (i32, i32) {
    %c0_i32 = arith.constant 0 : i32
    %c0_i32_0 = arith.constant 0 : i32
    return %arg0, %c0_i32 : i32, i32
  }
  func.func @transform_4(%arg0: i32) -> (i32, i32) {
    %c0_i32 = arith.constant 0 : i32
    %c0_i32_0 = arith.constant 0 : i32
    %c0_i32_1 = arith.constant 0 : i32
    return %c0_i32, %c0_i32_0 : i32, i32
  }
  func.func @transform_5(%arg0: i32) -> (i32, i32) {
    %c0_i32 = arith.constant 0 : i32
    %c0_i32_0 = arith.constant 0 : i32
    %c0_i32_1 = arith.constant 0 : i32
    return %c0_i32, %c0_i32_0 : i32, i32
  }
  func.func @transform_6(%arg0: i32) -> (i32, i32) {
    %c0_i32 = arith.constant 0 : i32
    %c0_i32_0 = arith.constant 0 : i32
    %c0_i32_1 = arith.constant 0 : i32
    return %c0_i32, %c0_i32_0 : i32, i32
  }
  func.func @transform_7(%arg0: i32) -> (i32, i32) {
    %c0_i32 = arith.constant 0 : i32
    %c0_i32_0 = arith.constant 0 : i32
    %c0_i32_1 = arith.constant 0 : i32
    return %c0_i32, %c0_i32_0 : i32, i32
  }
  func.func @transform_8(%arg0: i32) -> (i32, i32) {
    %c0_i32 = arith.constant 0 : i32
    %c0_i32_0 = arith.constant 0 : i32
    return %arg0, %c0_i32 : i32, i32
  }
}

module attributes {stable_mosaic.version = 14 : i64} {
  func.func @_tc3_body(%arg0: i32, %arg1: memref<1x1000x128xf32, #tpu.memory_space<vmem>>, %arg2: memref<1x1000x128xf32, #tpu.memory_space<vmem>>, %arg3: memref<1000x128xf32, #tpu.memory_space<vmem>>, %arg4: memref<1000x2xf32, #tpu.memory_space<vmem>>, %arg5: memref<1x128xf32, #tpu.memory_space<vmem>>, %arg6: memref<1x128xf32, #tpu.memory_space<vmem>>, %arg7: memref<1x128xf32, #tpu.memory_space<vmem>>, %arg8: memref<1000x128xf32, #tpu.memory_space<vmem>>) attributes {dimension_semantics = [#tpu.dimension_semantics<arbitrary>], iteration_bounds = array<i64: 10>, scalar_prefetch = 0 : i64, scratch_operands = 0 : i64, tpu.core_type = #tpu.core_type<tc>, window_params = [{transform_indices = @transform_0, window_bounds = array<i64: 1, 1000, 128>}, {transform_indices = @transform_1, window_bounds = array<i64: 1, 1000, 128>}, {transform_indices = @transform_2, window_bounds = array<i64: 1000, 128>}, {transform_indices = @transform_3, window_bounds = array<i64: 1000, 2>}, {pipeline_mode = #tpu.pipeline_mode<synchronous>, transform_indices = @transform_4, window_bounds = array<i64: 1, 128>}, {pipeline_mode = #tpu.pipeline_mode<synchronous>, transform_indices = @transform_5, window_bounds = array<i64: 1, 128>}, {pipeline_mode = #tpu.pipeline_mode<synchronous>, transform_indices = @transform_6, window_bounds = array<i64: 1, 128>}, {transform_indices = @transform_7, window_bounds = array<i64: 1000, 128>}]} {
    %get3A = arith.constant 0 : index
    %get3A_0 = arith.constant 0 : index
    %get3A_1 = vector.load %arg4[%get3A, %get3A_0] : memref<1000x2xf32, #tpu.memory_space<vmem>>, vector<1000x2xf32>
    %slice3A = vector.extract_strided_slice %get3A_1 {offsets = [0, 0], sizes = [1000, 1], strides = [1, 1]} : vector<1000x2xf32> to vector<1000x1xf32>
    %slice3A_2 = vector.extract_strided_slice %get3A_1 {offsets = [0, 1], sizes = [1000, 1], strides = [1, 1]} : vector<1000x2xf32> to vector<1000x1xf32>
    %add3A = arith.addf %slice3A, %slice3A_2 : vector<1000x1xf32>
    %add3A_3 = arith.constant 1.000000e+00 : f32
    %add3A_4 = vector.broadcast %add3A_3 : f32 to vector<1000x1xf32>
    %add3A_5 = arith.addf %add3A, %add3A_4 : vector<1000x1xf32>
    %rsqrt3A = math.rsqrt %add3A_5 : vector<1000x1xf32>
    %get3A_6 = arith.constant 0 : index
    %get3A_7 = arith.constant 0 : index
    %get3A_8 = arith.constant 0 : index
    %get3A_9 = vector.load %arg1[%get3A_6, %get3A_7, %get3A_8] : memref<1x1000x128xf32, #tpu.memory_space<vmem>>, vector<1x1000x128xf32>
    %get3A_10 = vector.shape_cast %get3A_9 : vector<1x1000x128xf32> to vector<1000x128xf32>
    %get3A_11 = arith.constant 0 : index
    %get3A_12 = arith.constant 0 : index
    %get3A_13 = arith.constant 0 : index
    %get3A_14 = vector.load %arg2[%get3A_11, %get3A_12, %get3A_13] : memref<1x1000x128xf32, #tpu.memory_space<vmem>>, vector<1x1000x128xf32>
    %get3A_15 = vector.shape_cast %get3A_14 : vector<1x1000x128xf32> to vector<1000x128xf32>
    %get3A_16 = arith.constant 0 : index
    %get3A_17 = arith.constant 0 : index
    %get3A_18 = vector.load %arg3[%get3A_16, %get3A_17] : memref<1000x128xf32, #tpu.memory_space<vmem>>, vector<1000x128xf32>
    %get3A_19 = arith.constant 0 : index
    %get3A_20 = arith.constant 0 : index
    %get3A_21 = vector.load %arg5[%get3A_19, %get3A_20] : memref<1x128xf32, #tpu.memory_space<vmem>>, vector<1x128xf32>
    %get3A_22 = arith.constant 0 : index
    %get3A_23 = arith.constant 0 : index
    %get3A_24 = vector.load %arg6[%get3A_22, %get3A_23] : memref<1x128xf32, #tpu.memory_space<vmem>>, vector<1x128xf32>
    %get3A_25 = arith.constant 0 : index
    %get3A_26 = arith.constant 0 : index
    %get3A_27 = vector.load %arg7[%get3A_25, %get3A_26] : memref<1x128xf32, #tpu.memory_space<vmem>>, vector<1x128xf32>
    %add3A_28 = arith.addf %get3A_10, %get3A_15 : vector<1000x128xf32>
    %add3A_29 = arith.addf %add3A_28, %get3A_18 : vector<1000x128xf32>
    %mul3A = vector.broadcast %rsqrt3A : vector<1000x1xf32> to vector<1000x128xf32>
    %mul3A_30 = arith.mulf %add3A_29, %mul3A : vector<1000x128xf32>
    %add3A_31 = vector.broadcast %get3A_21 : vector<1x128xf32> to vector<1000x128xf32>
    %add3A_32 = arith.addf %mul3A_30, %add3A_31 : vector<1000x128xf32>
    %reduce_sum3A = arith.constant dense<0.000000e+00> : vector<1000xf32>
    %reduce_sum3A_33 = vector.multi_reduction <add>, %add3A_32, %reduce_sum3A [1] : vector<1000x128xf32> to vector<1000xf32>
    %broadcast_in_dim3A = vector.shape_cast %reduce_sum3A_33 : vector<1000xf32> to vector<1000x1xf32>
    %div3A = arith.constant 1.280000e+02 : f32
    %div3A_34 = vector.broadcast %div3A : f32 to vector<1000x1xf32>
    %div3A_35 = arith.divf %broadcast_in_dim3A, %div3A_34 : vector<1000x1xf32>
    %sub3A = vector.broadcast %div3A_35 : vector<1000x1xf32> to vector<1000x128xf32>
    %sub3A_36 = arith.subf %add3A_32, %sub3A : vector<1000x128xf32>
    %mul3A_37 = arith.mulf %sub3A_36, %sub3A_36 : vector<1000x128xf32>
    %reduce_sum3A_38 = arith.constant dense<0.000000e+00> : vector<1000xf32>
    %reduce_sum3A_39 = vector.multi_reduction <add>, %mul3A_37, %reduce_sum3A_38 [1] : vector<1000x128xf32> to vector<1000xf32>
    %broadcast_in_dim3A_40 = vector.shape_cast %reduce_sum3A_39 : vector<1000xf32> to vector<1000x1xf32>
    %div3A_41 = arith.constant 1.280000e+02 : f32
    %div3A_42 = vector.broadcast %div3A_41 : f32 to vector<1000x1xf32>
    %div3A_43 = arith.divf %broadcast_in_dim3A_40, %div3A_42 : vector<1000x1xf32>
    %add3A_44 = arith.constant 9.99999974E-6 : f32
    %add3A_45 = vector.broadcast %add3A_44 : f32 to vector<1000x1xf32>
    %add3A_46 = arith.addf %div3A_43, %add3A_45 : vector<1000x1xf32>
    %rsqrt3A_47 = math.rsqrt %add3A_46 : vector<1000x1xf32>
    %mul3A_48 = vector.broadcast %rsqrt3A_47 : vector<1000x1xf32> to vector<1000x128xf32>
    %mul3A_49 = arith.mulf %sub3A_36, %mul3A_48 : vector<1000x128xf32>
    %mul3A_50 = vector.broadcast %get3A_24 : vector<1x128xf32> to vector<1000x128xf32>
    %mul3A_51 = arith.mulf %mul3A_49, %mul3A_50 : vector<1000x128xf32>
    %add3A_52 = vector.broadcast %get3A_27 : vector<1x128xf32> to vector<1000x128xf32>
    %add3A_53 = arith.addf %mul3A_51, %add3A_52 : vector<1000x128xf32>
    %max3A = arith.constant 0.000000e+00 : f32
    %max3A_54 = vector.broadcast %max3A : f32 to vector<1000x128xf32>
    %max3A_55 = arith.maximumf %add3A_53, %max3A_54 : vector<1000x128xf32>
    %swap3A = arith.constant 0 : index
    %swap3A_56 = arith.constant 0 : index
    %swap3A_57 = vector.load %arg8[%swap3A, %swap3A_56] : memref<1000x128xf32, #tpu.memory_space<vmem>>, vector<1000x128xf32>
    tpu.vector_store %arg8[%swap3A, %swap3A_56], %max3A_55 {strides = array<i32>} : memref<1000x128xf32, #tpu.memory_space<vmem>>, vector<1000x128xf32>,
    return
  }
  func.func @transform_0(%arg0: i32) -> (i32, i32, i32) {
    %c0_i32 = arith.constant 0 : i32
    %c0_i32_0 = arith.constant 0 : i32
    %c0_i32_1 = arith.constant 0 : i32
    return %c0_i32, %arg0, %c0_i32_0 : i32, i32, i32
  }
  func.func @transform_1(%arg0: i32) -> (i32, i32, i32) {
    %c1_i32 = arith.constant 1 : i32
    %c0_i32 = arith.constant 0 : i32
    %c0_i32_0 = arith.constant 0 : i32
    return %c1_i32, %arg0, %c0_i32 : i32, i32, i32
  }
  func.func @transform_2(%arg0: i32) -> (i32, i32) {
    %c0_i32 = arith.constant 0 : i32
    %c0_i32_0 = arith.constant 0 : i32
    return %arg0, %c0_i32 : i32, i32
  }
  func.func @transform_3(%arg0: i32) -> (i32, i32) {
    %c0_i32 = arith.constant 0 : i32
    %c0_i32_0 = arith.constant 0 : i32
    return %arg0, %c0_i32 : i32, i32
  }
  func.func @transform_4(%arg0: i32) -> (i32, i32) {
    %c0_i32 = arith.constant 0 : i32
    %c0_i32_0 = arith.constant 0 : i32
    %c0_i32_1 = arith.constant 0 : i32
    return %c0_i32, %c0_i32_0 : i32, i32
  }
  func.func @transform_5(%arg0: i32) -> (i32, i32) {
    %c0_i32 = arith.constant 0 : i32
    %c0_i32_0 = arith.constant 0 : i32
    %c0_i32_1 = arith.constant 0 : i32
    return %c0_i32, %c0_i32_0 : i32, i32
  }
  func.func @transform_6(%arg0: i32) -> (i32, i32) {
    %c0_i32 = arith.constant 0 : i32
    %c0_i32_0 = arith.constant 0 : i32
    %c0_i32_1 = arith.constant 0 : i32
    return %c0_i32, %c0_i32_0 : i32, i32
  }
  func.func @transform_7(%arg0: i32) -> (i32, i32) {
    %c0_i32 = arith.constant 0 : i32
    %c0_i32_0 = arith.constant 0 : i32
    return %arg0, %c0_i32 : i32, i32
  }
}

</mosaic_0001>

<sc_bundles>
// kernel: kernel.11.cloned.1.call-start
scs
__scs_entry_jumppad:
0x0: {  	(pc) =	sbr.rel $0x88, $3  }
0x1: {  	(tag) =	ssettag $0x0;
	lr =	simm.s32 $0x1  }
0x2: {  	[smem:$0x3F97] =	sst lr;
	_ =	strace $0xD0000000  }
0x3: {  	_ = 	snop  }
0x4: {  	_ = 	snop  }
0x5: {  	_ = 	snop  }
0x6: {  	_ = 	snop  }
0x7: {  	_ = 	snop  }
__scs_overlays_trampoline_lowered:
0x8: {  	[smem:$0x3FA6] =	sst s0  }
0x9: {  	[smem:$0x3FA7] =	sst s1  }
0xa: {  	[smem:$0x3FA8] =	sst s2  }
0xb: {  	[smem:$0x3FA9] =	sst s3  }
0xc: {  	[smem:$0x3FAA] =	sst s4  }
0xd: {  	[smem:$0x3FAB] =	sst s5  }
0xe: {  	[smem:$0x3FAC] =	sst s6  }
0xf: {  	[smem:$0x3FAD] =	sst s7  }
0x10: {  	[smem:$0x3FAE] =	sst s8  }
0x11: {  	[smem:$0x3FAF] =	sst s9;
	s0 =	simm.s32 @!p0 $0x0  }
0x12: {  	s1 =	sld [smem:$0x3F95];
	s0 =	simm.s32 @p0 $0x1  }
0x13: {  	[smem:$0x3FB0] =	sst s0;
	s0 =	simm.s32 @!p1 $0x0  }
0x14: {  	s2 =	sld [smem:$0x3F94];
	s0 =	simm.s32 @p1 $0x1  }
0x15: {  	[smem:$0x3FB1] =	sst s0;
	s0 =	simm.s32 @!p2 $0x0  }
0x16: {  	s3 =	sld [smem:$0x3FDB];
	s0 =	simm.s32 @p2 $0x1  }
0x17: {  	s4 =	simm.s32 $0x1BF5;
	[smem:$0x3FB3] =	sst s0  }
0x18: {  	s0 =	sld [smem:$0x3F96];
	_ =	swait.ge [sflag:s4], $0x0  }
0x19: {  	s7 =	sld [smem:$0x3F97]  }
0x1a: {  	s8 =	sadd.s32 $0xFFFFE003, lr  }
0x1b: {  	s9 =	sadd.s32 $0xFFFFFEF7, lr;
	s5 =	simm.s32 $0xFFFFFFFF;
	p2 =	slt.u32 s8, $0xFFFFF086  }
0x1c: {  	p1 =	slt.u32 s9, $0xF7A;
	s5 =	simm.s32 @!p2 $0x0  }
0x1d: {  	s5 =	simm.s32 @p1 $0x1;
	p0 =	seq.s32 s7, s2  }
0x1e: {  	s7 =	smul.u32 @!p0 $0xF7A, s2;
	p2 =	seq.s32 @!p0 s5, $0x0  }
0x1f: {  	s9 =	smul.u32 $0xF7A, s1;
	s8 =	simm.s32 @!p0 $0x1BF5;
	p2 =	por !p2, p0  }
0x20: {  	[sflag:s8] =	ssyncset.s32 @!p0 $0xFFFFF086;
	s6 =	sadd.s32 @!p0 s3, s7;
	s7 =	simm.s32 @!p0 $0x108  }
0x21: {  	s3 =	sadd.s32 s3, s9;
	s6 =	sadd.s32 @!p0 $0x88, s6;
	s7 =	simm.s32 @p2 $0x1082  }
0x22: {  	[simem:s7], [sflag:s8] =	dma.local @!p0 [hbm:s6], $0xF7A  }
0x23: {  	s9 =	sor.u32 $0xD0000000, s2;
	s6 =	simm.s32 $0x108;
	_ =	swait.ge @!p0 [sflag:s8], $0x0  }
0x24: {  	s3 =	sadd.s32 $0x88, s3;
	s6 =	simm.s32 @!p1 $0x1082;
	[sflag:s4] =	ssyncset.s32 $0xFFFFF086  }
0x25: {  	[simem:s6], [sflag:s4] =	dma.local [hbm:s3], $0xF7A  }
0x26: {  	[smem:$0x3F97] =	sst s1;
	(tag) =	ssettag s2;
	_ =	strace s9  }
0x27: {  	s1 =	sld [smem:$0x3FA7]  }
0x28: {  	s2 =	sld [smem:$0x3FA8]  }
0x29: {  	s4 =	sld [smem:$0x3FAA]  }
0x2a: {  	p0 =	seq.s32 s5, $0x0;
	s5 =	sld [smem:$0x3FAB]  }
0x2b: {  	s6 =	sld [smem:$0x3FAC]  }
0x2c: {  	s7 =	sld [smem:$0x3FAD]  }
0x2d: {  	s3 =	simm.s32 $0x108;
	s8 =	sld [smem:$0x3FAE]  }
0x2e: {  	s3 =	simm.s32 @!p0 $0x1082;
	s9 =	sld [smem:$0x3FAF]  }
0x2f: {  	lr =	sadd.s32 s0, s3;
	s0 =	sld [smem:$0x3FA6]  }
0x30: {  	s3 =	sld [smem:$0x3FA9]  }
0x31: {  	[smem:$0x3FB2] =	sst s10  }
0x32: {  	s10 =	sld [smem:$0x3FB0];
	_ =	sdelay $0x3  }
0x33: {  	p0 =	seq.s32 s10, $0x1;
	s10 =	sld [smem:$0x3FB2];
	_ =	sdelay $0x3  }
0x34: {  	[smem:$0x3FB2] =	sst s10  }
0x35: {  	s10 =	sld [smem:$0x3FB1];
	_ =	sdelay $0x3  }
0x36: {  	p1 =	seq.s32 s10, $0x1;
	s10 =	sld [smem:$0x3FB2];
	_ =	sdelay $0x3  }
0x37: {  	[smem:$0x3FB2] =	sst s10  }
0x38: {  	s10 =	sld [smem:$0x3FB3]  }
0x39: {  	_ = 	snop;
	(pc) =	sbr.ind lr, $3  }
0x3a: {  	_ = 	snop  }
0x3b: {  	_ = 	snop  }
0x3c: {  	p2 =	seq.s32 s10, $0x1;
	s10 =	sld [smem:$0x3FB2]  }
0x3d: {  	_ =	shalt  }
0x3e: {  	_ =	shalt  }
0x3f: {  	_ =	shalt  }
0x40: {  	_ =	shalt  }
0x41: {  	_ =	shalt  }
0x42: {  	_ =	shalt  }
0x43: {  	_ =	shalt  }
0x44: {  	_ =	shalt  }
0x45: {  	_ =	shalt  }
0x46: {  	_ =	shalt  }
0x47: {  	_ =	shalt  }
0x48: {  	_ =	shalt  }
0x49: {  	_ =	shalt  }
0x4a: {  	_ =	shalt  }
0x4b: {  	_ =	shalt  }
0x4c: {  	_ =	shalt  }
0x4d: {  	_ =	shalt  }
0x4e: {  	_ =	shalt  }
0x4f: {  	_ =	shalt  }
0x50: {  	_ =	shalt  }
0x51: {  	_ =	shalt  }
0x52: {  	_ =	shalt  }
0x53: {  	_ =	shalt  }
0x54: {  	_ =	shalt  }
0x55: {  	_ =	shalt  }
0x56: {  	_ =	shalt  }
0x57: {  	_ =	shalt  }
0x58: {  	_ =	shalt  }
0x59: {  	_ =	shalt  }
0x5a: {  	_ =	shalt  }
0x5b: {  	_ =	shalt  }
0x5c: {  	_ =	shalt  }
0x5d: {  	_ =	shalt  }
0x5e: {  	_ =	shalt  }
0x5f: {  	_ =	shalt  }
0x60: {  	_ =	shalt  }
0x61: {  	_ =	shalt  }
0x62: {  	_ =	shalt  }
0x63: {  	_ =	shalt  }
0x64: {  	_ =	shalt  }
0x65: {  	_ =	shalt  }
0x66: {  	_ =	shalt  }
0x67: {  	_ =	shalt  }
0x68: {  	_ =	shalt  }
0x69: {  	_ =	shalt  }
0x6a: {  	_ =	shalt  }
0x6b: {  	_ =	shalt  }
0x6c: {  	_ =	shalt  }
0x6d: {  	_ =	shalt  }
0x6e: {  	_ =	shalt  }
0x6f: {  	_ =	shalt  }
0x70: {  	_ =	shalt  }
0x71: {  	_ =	shalt  }
0x72: {  	_ =	shalt  }
0x73: {  	_ =	shalt  }
0x74: {  	_ =	shalt  }
0x75: {  	_ =	shalt  }
0x76: {  	_ =	shalt  }
0x77: {  	_ =	shalt  }
0x78: {  	_ =	shalt  }
0x79: {  	_ =	shalt  }
0x7a: {  	_ =	shalt  }
0x7b: {  	_ =	shalt  }
0x7c: {  	_ =	shalt  }
0x7d: {  	_ =	shalt  }
0x7e: {  	_ =	shalt  }
0x7f: {  	_ =	shalt  }
0x80: {  	_ =	shalt  }
0x81: {  	_ =	shalt  }
0x82: {  	_ =	shalt  }
0x83: {  	_ =	shalt  }
0x84: {  	_ =	shalt  }
0x85: {  	_ =	shalt  }
0x86: {  	_ =	shalt  }
0x87: {  	_ =	shalt  }
.Lfunc_end0:
.L_simem_size_0:
called_computation.1_lowered:
.L_overlay_start_0:
0x88: {  	s2 =	sld [smem:$0x3FD9]  }
0x89: {  	s3 =	sld [smem:$0x3FFE];
	_ =	sdelay $0x1  }
0x8a: {  	s1 =	srdreg.scid  }
0x8b: {  	s0 =	sand.u32 $0x1, s1  }
0x8c: {  	s17 =	sshll.u32 s0, $0xA;
	s2 =	sadd.s32 s3, s2  }
0x8d: {  	s2 =	sadd.s32 s2, s17  }
0x8e: {  	[smem:$0x3FBE] =	sst s2  }
0x8f: {  	_ = 	snop  }
0x90: {  	s2 =	sld [smem:$0x3FD0];
	(tm) =	ssettm $0x1  }
0x91: {  	s18 =	sld [smem:$0x3FFB];
	_ =	sdelay $0x3  }
0x92: {  	_ =	strace s18  }
0x93: {  	s3 =	sld [smem:$0x3FFC];
	_ =	sdelay $0x3  }
0x94: {  	_ =	strace s3  }
0x95: {  	s3 =	sld [smem:$0x3FFD];
	_ =	sdelay $0x3  }
0x96: {  	_ =	strace s3  }
0x97: {  	_ =	strace $0x8FFFFFFF  }
0x98: {  	s19 =	sld [smem:$0x3FDB];
	_ =	sdelay $0x1  }
0x99: {  	s4 =	simm.s32 $_scs_section_size  }
0x9a: {  	s5 =	simm.s32 $_size__tile_overlayer_lowered;
	s6 =	simm.s32 $_tile_overlayer_lowered  }
0x9b: {  	s22 =	simm.s32 $0x1BFF;
	s21 =	sshll.u32 s6, $0x1;
	s3 =	sadd.s32 s4, s19  }
0x9c: {  	s7 =	simm.s32 $0x0;
	s20 =	sshll.u32 s5, $0x1;
	s5 =	sadd.s32 s21, s3  }
0x9d: {  	[timem:s7], [sflag:s22] =	dma.local [hbm:s5], s20  }
0x9e: {  	_ =	swait.ge [sflag:s22], s20  }
0x9f: {  	s4 =	ssub.s32 $0x0, s20;
	[sflag:s22] =	ssyncset.done $0x0  }
0xa0: {  	[sflag:s22] =	ssyncadd.s32 s4;
	_ =	sdelay $0x1  }
0xa1: {  	s23 =	simm.s32 $0x1B8B  }
0xa2: {  	_ =	swait.ge [sflag:s23], $0x1  }
0xa3: {  	[sflag:s23] =	ssyncset.done $0x0  }
0xa4: {  	s25 =	simm.s32 $0x1B8E;
	s24 =	sld [smem:$0x3FFE];
	[sflag:s23] =	ssyncadd.s32 $0xFFFFFFFF  }
0xa5: {  	s26 =	simm.s32 $execute0_lowered;
	[smem:$0x3FD2] =	sst s25  }
0xa6: {  	s5 =	sshll.u32 s26, $0x1;
	_ =	strace $0x80000049;
	[dreg:$0x1] =	wrdreg $0xFFFFFFFF  }
0xa7: {  	s28 =	simm.s32 $_size_execute0_lowered;
	s3 =	sadd.s32 s3, s5;
	[dreg:$0x0] =	wrdreg $0x0  }
0xa8: {  	s5 =	sshll.u32 s28, $0x1;
	[dreg:$0x2] =	wrdreg s3  }
0xa9: {  	[dreg:$0x3] =	wrdreg s5  }
0xaa: {  	[dreg:$0x4] =	wrdreg $0xC0  }
0xab: {  	_ =	task [dreg:s7], $0x5FFFF  }
0xac: {  	[dreg:$0x1] =	wrdreg $0xFFFFFFFF  }
0xad: {  	[dreg:$0x0] =	wrdreg $0x60  }
0xae: {  	[dreg:$0x2] =	wrdreg s2  }
0xaf: {  	[dreg:$0x3] =	wrdreg s24  }
0xb0: {  	[dreg:$0x4] =	wrdreg $0xA8000  }
0xb1: {  	[dreg:$0x5] =	wrdreg $0x9  }
0xb2: {  	_ =	task.clear_ibuf [dreg:s7], $0x6FFFF;
	_ =	strace $0x90000049  }
0xb3: {  	s29 =	simm.s32 $0x9;
	_ =	strace $0x8000004B  }
0xb4: {  	_ =	swait.ge [sflag:s29], $0x1  }
0xb5: {  	[sflag:s29] =	ssyncadd.s32 $0xFFFFFFFF  }
0xb6: {  	_ =	strace $0x9000004B  }
0xb7: {  	_ =	sfence  }
0xb8: {  	s30 =	sld [smem:$0x0];
	_ =	sdelay $0x2  }
0xb9: {  	s31 =	sshll.u32 s1, $0xD;
	s1 =	sshrl.u32 s1, $0x2  }
0xba: {  	s3 =	sand.u32 $0x4000, s31;
	s1 =	sadd.s32 s1, s30  }
0xbb: {  	s0 =	sor.u32 s3, s0;
	s1 =	sshll.u32 s1, $0x11  }
0xbc: {  	s0 =	sor.u32 s1, s0  }
0xbd: {  	s0 =	sadd.s32 $0x8F2B, s0  }
0xbe: {  	[sflag:s0] =	ssyncadd.remote.s32 $0x1  }
0xbf: {  	_ =	sfence.sel $0xFFFF  }
0xc0: {  	[dreg:$0x0] =	wrdreg $0xFFFFFFFF;
	(pc) =	sbr.abs _section_cstart, $3  }
0xc1: {  	[dreg:$0x1] =	wrdreg $0xFFFFFFFF  }
0xc2: {  	_ =	task.clear_ibuf [dreg:s7], $0x2FFFF;
	_ =	strace $0x9FFFFFFF  }
0xc3: {  	(tm) =	ssettm $0x7FFFFFFF  }
tec
execute0_lowered:
.L_overlay_start_1:
0x0: {  	(tag) =	ssettag $0x1  }
0x1: {  	s2 =	rddreg [dreg:$0x0]  }
0x2: {  	s5 =	rddreg [dreg:$0x1]  }
0x3: {  	s3 =	rddreg [dreg:$0x2]  }
0x4: {  	s0 =	rddreg [dreg:$0x3]  }
0x5: {  	s1 =	stileid.u32;
	s4 =	simm.s32 $0x0;
	s7 =	srdreg.scid  }
0x6: {  	s17 =	simm.s32 $0x3;
	s18 =	simm.s32 $0x80;
	s19 =	simm.s32 $0x2800  }
0x7: {  	s20 =	simm.s32 $0x6800;
	s21 =	simm.s32 $0x1;
	s22 =	simm.s32 $0x2  }
0x8: {  	s23 =	simm.s32 $0x2700;
	s24 =	simm.s32 $0x2780;
	s25 =	simm.s32 $0x0  }
0x9: {  	s6 =	smul.u32 $0x13C00, s1;
	[smem:$0x7FF] =	sst s4;
	s7 =	sand.u32 $0x1, s7  }
0xa: {  	s10 =	sadd.s32 $0xCE00, s5;
	s11 =	sadd.s32 $0x2600, s5;
	s12 =	smul.u32 $0x4F000, s1  }
0xb: {  	s28 =	sshll.u32 s1, $0x1;
	_ =	strace $0x8000004A;
	s9 =	smul.u32 $0x13C000, s7  }
0xc: {  	s13 =	ssub.s32 $0x2, s7;
	s7 =	sor.u32 s7, s28;
	s8 =	sshrl.u32 s6, $0x3  }
0xd: {  	s29 =	sshrl.u32 s13, $0x1;
	s12 =	sshrl.u32 s12, $0x2;
	s14 =	smul.u32 $0x2800, s7  }
0xe: {  	s30 =	smul.u32 $0x500, s7;
	s8 =	sadd.s32 s8, s5;
	s6 =	sadd.s32 s6, s9  }
0xf: {  	s13 =	ssub.s32 s13, s29;
	s16 =	sadd.s32 s12, s3;
	s6 =	sshrl.u32 s6, $0x3  }
0x10: {  	s31 =	sshrl.u32 s14, $0x3;
	s9 =	sadd.s32 s11, s30;
	s13 =	smax.u32 s13, $0x1  }
0x11: {  	s14 =	sshrl.u32 s16, $0x3;
	s16 =	simm.s32 $0x1400;
	s15 =	sadd.s32 s6, s5  }
0x12: {  	s5 =	sshll.u32 s1, $0x6;
	s6 =	sadd.s32 $0x16E00, s8;
	s12 =	sadd.s32 $0x280, s31  }
0x13: {  	s8 =	sadd.s32 s10, s30;
	s7 =	sor.u32 $0x1C03, s5;
	s10 =	sadd.s32 s10, s12  }
0x14: {  	s11 =	sadd.s32 s11, s12;
	s12 =	sadd.s32 $0x3E600, s15;
	s15 =	simm.s32 $0x4  }
.LBB2_1:
0x15: {  	[spmem:s14], [sflag:s7] =	dma.local [hbm:s6], $0x2780  }
0x16: {  	[tilespmem:s4], [sflag:$0x4] =	stream.linear.gather [hbm4b:s8+s4], $0x1400, $0x38;
	[tilespmem:$0x1E400] =	vst v63  }
0x17: {  	_ =	swait.ge [sflag:s15], $0x1400  }
0x18: {  	[sflag:s15] =	ssyncset.done $0x0  }
0x19: {  	[sflag:s15] =	ssyncadd.s32 $0xFFFFEC00  }
0x1a: {  	[tilespmem:s16], [sflag:$0x4] =	stream.linear.gather [hbm4b:s9+s4], $0x1400, $0x38;
	[tilespmem:$0x1E400] =	vst v63  }
0x1b: {  	_ =	swait.ge [sflag:s15], $0x1400  }
0x1c: {  	[sflag:s15] =	ssyncset.done $0x0  }
0x1d: {  	[sflag:s15] =	ssyncadd.s32 $0xFFFFEC00  }
0x1e: {  	_ =	swait.ge [sflag:s17], $0x2780  }
0x1f: {  	[sflag:s17] =	ssyncset.done $0x0  }
0x20: {  	[sflag:s17] =	ssyncadd.s32 $0xFFFFD880  }
0x21: {  	[bflag:$0x0] =	sbarrier.arrive $0xFFFF  }
0x22: {  	[tilespmem:s19], [sflag:$0x1] =	stream.indirect.gather [hbm4b:s2+s18], $0x80, s4, s18, $0xb8;
	[tilespmem:$0x1E400] =	vst v63  }
0x23: {  	_ = 	snop  }
0x24: {  	[tilespmem:s20], [sflag:$0x2] =	stream.indirect.gather [hbm4b:s2+s18], $0x80, s18, s18, $0xb8;
	[tilespmem:$0x1E400] =	vst v63  }
0x25: {  	_ =	swait.ge [sflag:s21], $0x4000  }
0x26: {  	[sflag:s21] =	ssyncset.done $0x0  }
0x27: {  	s26 =	simm.s32 $0x1400;
	[sflag:s21] =	ssyncadd.s32 $0xFFFFC000  }
0x28: {  	[spmem:s3] =	stream.indirect.scatter.add.f32 [tilespmem:s19], [sflag:$0x4], $0x80, s26, s18, $0xb8;
	[tilespmem:$0x1E400] =	vst v63  }
0x29: {  	_ =	swait.ge [sflag:s15], $0x4000  }
0x2a: {  	[sflag:s15] =	ssyncset.done $0x0  }
0x2b: {  	s30 =	simm.s32 $0x100;
	[sflag:s15] =	ssyncadd.s32 $0xFFFFC000  }
0x2c: {  	[tilespmem:s19], [sflag:$0x1] =	stream.indirect.gather [hbm4b:s2+s18], $0x80, s30, s18, $0xb8;
	[tilespmem:$0x1E400] =	vst v63  }
0x2d: {  	_ =	swait.ge [sflag:s22], $0x4000  }
0x2e: {  	[sflag:s22] =	ssyncset.done $0x0  }
0x2f: {  	s31 =	simm.s32 $0x1480;
	[sflag:s22] =	ssyncadd.s32 $0xFFFFC000  }
0x30: {  	[spmem:s3] =	stream.indirect.scatter.add.f32 [tilespmem:s20], [sflag:$0x4], $0x80, s31, s18, $0xb8;
	[tilespmem:$0x1E400] =	vst v63  }
0x31: {  	_ =	swait.ge [sflag:s15], $0x4000  }
0x32: {  	[sflag:s15] =	ssyncset.done $0x0  }
0x33: {  	s28 =	simm.s32 $0x180;
	s26 =	simm.s32 $0x400;
	[sflag:s15] =	ssyncadd.s32 $0xFFFFC000  }
.LBB2_2:
0x34: {  	[tilespmem:s20], [sflag:$0x2] =	stream.indirect.gather [hbm4b:s2+s18], $0x80, s28, s18, $0xb8;
	[tilespmem:$0x1E400] =	vst v63  }
0x35: {  	s28 =	smov.u32 s26  }
0x36: {  	p0 =	sne.s32 s26, $0x4800;
	s26 =	sadd.s32 $0x400, s26;
	_ =	swait.ge [sflag:s21], $0x4000  }
0x37: {  	s28 =	sshra.s32 s28, $0x2;
	[sflag:s21] =	ssyncset.done $0x0  }
0x38: {  	s29 =	sadd.s32 $0x1400, s28;
	[sflag:s21] =	ssyncadd.s32 $0xFFFFC000  }
0x39: {  	[spmem:s3] =	stream.indirect.scatter.add.f32 [tilespmem:s19], [sflag:$0x4], $0x80, s29, s18, $0xb8;
	[tilespmem:$0x1E400] =	vst v63  }
0x3a: {  	_ =	swait.ge [sflag:s15], $0x4000  }
0x3b: {  	[sflag:s15] =	ssyncset.done $0x0  }
0x3c: {  	s29 =	sadd.s32 $0x100, s28;
	[sflag:s15] =	ssyncadd.s32 $0xFFFFC000  }
0x3d: {  	[tilespmem:s19], [sflag:$0x1] =	stream.indirect.gather [hbm4b:s2+s18], $0x80, s29, s18, $0xb8;
	[tilespmem:$0x1E400] =	vst v63  }
0x3e: {  	_ =	swait.ge [sflag:s22], $0x4000  }
0x3f: {  	[sflag:s22] =	ssyncset.done $0x0  }
.Ltmp0:
0x40: {  	s29 =	sadd.s32 $0x1480, s28;
	[sflag:s22] =	ssyncadd.s32 $0xFFFFC000;
	(pc) =	sbr.rel @p0 .LBB2_2-.Ltmp0, $4  }
0x41: {  	[spmem:s3] =	stream.indirect.scatter.add.f32 [tilespmem:s20], [sflag:$0x4], $0x80, s29, s18, $0xb8;
	[tilespmem:$0x1E400] =	vst v63  }
0x42: {  	_ =	swait.ge [sflag:s15], $0x4000  }
0x43: {  	[sflag:s15] =	ssyncset.done $0x0  }
0x44: {  	s28 =	sadd.s32 $0x180, s28;
	[sflag:s15] =	ssyncadd.s32 $0xFFFFC000  }
0x45: {  	[tilespmem:s20], [sflag:$0x2] =	stream.indirect.gather [hbm4b:s2+s18], $0x80, s28, s18, $0xb8;
	[tilespmem:$0x1E400] =	vst v63  }
0x46: {  	_ =	swait.ge [sflag:s21], $0x4000  }
0x47: {  	[sflag:s21] =	ssyncset.done $0x0  }
0x48: {  	[sflag:s21] =	ssyncadd.s32 $0xFFFFC000  }
0x49: {  	[spmem:s3] =	stream.indirect.scatter.add.f32 [tilespmem:s19], [sflag:$0x4], $0x80, s23, s18, $0xb8;
	[tilespmem:$0x1E400] =	vst v63  }
0x4a: {  	_ =	swait.ge [sflag:s15], $0x4000  }
0x4b: {  	[sflag:s15] =	ssyncset.done $0x0  }
0x4c: {  	[sflag:s15] =	ssyncadd.s32 $0xFFFFC000  }
0x4d: {  	_ =	swait.ge [sflag:s22], $0x4000  }
0x4e: {  	[sflag:s22] =	ssyncset.done $0x0  }
0x4f: {  	[sflag:s22] =	ssyncadd.s32 $0xFFFFC000  }
0x50: {  	[spmem:s3] =	stream.indirect.scatter.add.f32 [tilespmem:s20], [sflag:$0x4], $0x80, s24, s18, $0xb8;
	[tilespmem:$0x1E400] =	vst v63  }
0x51: {  	_ =	swait.ge [sflag:s15], $0x4000  }
0x52: {  	[sflag:s15] =	ssyncset.done $0x0  }
0x53: {  	s26 =	simm.s32 $0x0;
	[sflag:s15] =	ssyncadd.s32 $0xFFFFC000  }
0x54: {  	[tilespmem:s26], [sflag:$0x4] =	stream.linear.gather [hbm4b:s10+s26], $0x1400, $0x38;
	[tilespmem:$0x1E400] =	vst v63  }
0x55: {  	_ =	swait.ge [sflag:s15], $0x1400  }
0x56: {  	[sflag:s15] =	ssyncset.done $0x0  }
0x57: {  	[sflag:s15] =	ssyncadd.s32 $0xFFFFEC00  }
0x58: {  	[tilespmem:s16], [sflag:$0x4] =	stream.linear.gather [hbm4b:s11+s26], $0x1400, $0x38;
	[tilespmem:$0x1E400] =	vst v63  }
0x59: {  	_ =	swait.ge [sflag:s15], $0x1400  }
0x5a: {  	[sflag:s15] =	ssyncset.done $0x0  }
0x5b: {  	[sflag:s15] =	ssyncadd.s32 $0xFFFFEC00  }
0x5c: {  	[tilespmem:s19], [sflag:$0x1] =	stream.indirect.gather [hbm4b:s2+s18], $0x80, s26, s18, $0xb8;
	[tilespmem:$0x1E400] =	vst v63  }
0x5d: {  	_ = 	snop  }
0x5e: {  	[tilespmem:s20], [sflag:$0x2] =	stream.indirect.gather [hbm4b:s2+s18], $0x80, s18, s18, $0xb8;
	[tilespmem:$0x1E400] =	vst v63  }
0x5f: {  	_ =	swait.ge [sflag:s21], $0x4000  }
0x60: {  	[sflag:s21] =	ssyncset.done $0x0  }
0x61: {  	s29 =	simm.s32 $0x1400;
	[sflag:s21] =	ssyncadd.s32 $0xFFFFC000  }
0x62: {  	[spmem:s3] =	stream.indirect.scatter.add.f32 [tilespmem:s19], [sflag:$0x4], $0x80, s29, s18, $0xb8;
	[tilespmem:$0x1E400] =	vst v63  }
0x63: {  	_ =	swait.ge [sflag:s15], $0x4000  }
0x64: {  	[sflag:s15] =	ssyncset.done $0x0  }
0x65: {  	s30 =	simm.s32 $0x100;
	[sflag:s15] =	ssyncadd.s32 $0xFFFFC000  }
0x66: {  	[tilespmem:s19], [sflag:$0x1] =	stream.indirect.gather [hbm4b:s2+s18], $0x80, s30, s18, $0xb8;
	[tilespmem:$0x1E400] =	vst v63  }
0x67: {  	_ =	swait.ge [sflag:s22], $0x4000  }
0x68: {  	[sflag:s22] =	ssyncset.done $0x0  }
0x69: {  	s31 =	simm.s32 $0x1480;
	[sflag:s22] =	ssyncadd.s32 $0xFFFFC000  }
0x6a: {  	[spmem:s3] =	stream.indirect.scatter.add.f32 [tilespmem:s20], [sflag:$0x4], $0x80, s31, s18, $0xb8;
	[tilespmem:$0x1E400] =	vst v63  }
0x6b: {  	_ =	swait.ge [sflag:s15], $0x4000  }
0x6c: {  	[sflag:s15] =	ssyncset.done $0x0  }
0x6d: {  	s28 =	simm.s32 $0x180;
	s26 =	simm.s32 $0x400;
	[sflag:s15] =	ssyncadd.s32 $0xFFFFC000  }
.LBB2_4:
0x6e: {  	[tilespmem:s20], [sflag:$0x2] =	stream.indirect.gather [hbm4b:s2+s18], $0x80, s28, s18, $0xb8;
	[tilespmem:$0x1E400] =	vst v63  }
0x6f: {  	s28 =	smov.u32 s26  }
0x70: {  	p0 =	sne.s32 s26, $0x4800;
	s26 =	sadd.s32 $0x400, s26;
	_ =	swait.ge [sflag:s21], $0x4000  }
0x71: {  	s28 =	sshra.s32 s28, $0x2;
	[sflag:s21] =	ssyncset.done $0x0  }
0x72: {  	s29 =	sadd.s32 $0x1400, s28;
	[sflag:s21] =	ssyncadd.s32 $0xFFFFC000  }
0x73: {  	[spmem:s3] =	stream.indirect.scatter.add.f32 [tilespmem:s19], [sflag:$0x4], $0x80, s29, s18, $0xb8;
	[tilespmem:$0x1E400] =	vst v63  }
0x74: {  	_ =	swait.ge [sflag:s15], $0x4000  }
0x75: {  	[sflag:s15] =	ssyncset.done $0x0  }
0x76: {  	s29 =	sadd.s32 $0x100, s28;
	[sflag:s15] =	ssyncadd.s32 $0xFFFFC000  }
0x77: {  	[tilespmem:s19], [sflag:$0x1] =	stream.indirect.gather [hbm4b:s2+s18], $0x80, s29, s18, $0xb8;
	[tilespmem:$0x1E400] =	vst v63  }
0x78: {  	_ =	swait.ge [sflag:s22], $0x4000  }
0x79: {  	[sflag:s22] =	ssyncset.done $0x0  }
.Ltmp1:
0x7a: {  	s29 =	sadd.s32 $0x1480, s28;
	[sflag:s22] =	ssyncadd.s32 $0xFFFFC000;
	(pc) =	sbr.rel @p0 .LBB2_4-.Ltmp1, $4  }
0x7b: {  	[spmem:s3] =	stream.indirect.scatter.add.f32 [tilespmem:s20], [sflag:$0x4], $0x80, s29, s18, $0xb8;
	[tilespmem:$0x1E400] =	vst v63  }
0x7c: {  	_ =	swait.ge [sflag:s15], $0x4000  }
0x7d: {  	[sflag:s15] =	ssyncset.done $0x0  }
0x7e: {  	s28 =	sadd.s32 $0x180, s28;
	[sflag:s15] =	ssyncadd.s32 $0xFFFFC000  }
0x7f: {  	[tilespmem:s20], [sflag:$0x2] =	stream.indirect.gather [hbm4b:s2+s18], $0x80, s28, s18, $0xb8;
	[tilespmem:$0x1E400] =	vst v63  }
0x80: {  	_ =	swait.ge [sflag:s21], $0x4000  }
0x81: {  	[sflag:s21] =	ssyncset.done $0x0  }
0x82: {  	[sflag:s21] =	ssyncadd.s32 $0xFFFFC000  }
0x83: {  	[spmem:s3] =	stream.indirect.scatter.add.f32 [tilespmem:s19], [sflag:$0x4], $0x80, s23, s18, $0xb8;
	[tilespmem:$0x1E400] =	vst v63  }
0x84: {  	_ =	swait.ge [sflag:s15], $0x4000  }
0x85: {  	[sflag:s15] =	ssyncset.done $0x0  }
0x86: {  	[sflag:s15] =	ssyncadd.s32 $0xFFFFC000  }
0x87: {  	_ =	swait.ge [sflag:s22], $0x4000  }
0x88: {  	[sflag:s22] =	ssyncset.done $0x0  }
0x89: {  	[sflag:s22] =	ssyncadd.s32 $0xFFFFC000  }
0x8a: {  	[spmem:s3] =	stream.indirect.scatter.add.f32 [tilespmem:s20], [sflag:$0x4], $0x80, s24, s18, $0xb8;
	[tilespmem:$0x1E400] =	vst v63  }
0x8b: {  	_ =	swait.ge [sflag:s15], $0x4000  }
0x8c: {  	s25 =	sadd.s32 $0x1, s25;
	[sflag:s15] =	ssyncset.done $0x0  }
0x8d: {  	p0 =	sne.s32 s25, s13;
	[sflag:s15] =	ssyncadd.s32 $0xFFFFC000  }
.Ltmp2:
0x8e: {  	s26 =	sor.u32 $0x1C04, s5;
	[bflag:$0x0] =	sbarrier.arrive $0xFFFF;
	(pc) =	sbr.rel @p0 .LBB2_1-.Ltmp2, $4  }
0x8f: {  	[hbm:s12], [sflag:s26] =	dma.local [spmem:s14], $0x2780  }
0x90: {  	_ =	swait.ge [sflag:s15], $0x2780  }
0x91: {  	[sflag:s15] =	ssyncset.done $0x0  }
0x92: {  	[sflag:s15] =	ssyncadd.s32 $0xFFFFD880  }
0x93: {  	_ =	sfence.sel $0x180000  }
0x94: {  	[bflag:$0x0] =	sbarrier.arrive $0xFFFF  }
0x95: {  	p0 =	sne.s32 s1, $0x0;
	_ =	strace $0x9000004A  }
0x96: {  	s0 =	sadd.s32 @!p0 $0x100000, s0;
	[bflag:$0x2] =	sbarrier.arrive $0xFFFF  }
0x97: {  	[sflag:s0] =	ssyncadd.tile.s32 @!p0 $0x1;
	_ =	shalt  }
.Lfunc_end2:
_tile_overlayer_lowered:
.L_overlay_start_2:
0x98: {  	(tag) =	ssettag $0x2  }
0x99: {  	s0 =	rddreg [dreg:$0x0];
	s2 =	stileid.u32  }
0x9a: {  	s1 =	rddreg [dreg:$0x1];
	p0 =	sne.s32 s2, $0x0  }
0x9b: {  	s3 =	rddreg [dreg:$0x2];
	[bflag:$0x3] =	sbarrier.arrive $0xFFFF;
	s2 =	simm.s32 @!p0 $0x1C04  }
0x9c: {  	[timem:s3], [sflag:s2] =	dma.local @!p0 [hbm:s0], s1  }
0x9d: {  	s0 =	simm.s32 @!p0 $0x4  }
0x9e: {  	_ =	swait.ge @!p0 [sflag:s0], s1  }
0x9f: {  	s1 =	ssub.s32 @!p0 $0x0, s1;
	[sflag:s0] =	ssyncset.done @!p0 $0x0  }
0xa0: {  	[sflag:s0] =	ssyncadd.s32 @!p0 s1  }
0xa1: {  	[bflag:$0x3] =	sbarrier.arrive $0xFFFF  }
0xa2: {  	_ =	shalt  }

// kernel: kernel.14.cloned.1.call-start
scs
__scs_entry_jumppad:
0x0: {  	(pc) =	sbr.rel $0x88, $3  }
0x1: {  	(tag) =	ssettag $0x0;
	lr =	simm.s32 $0x1  }
0x2: {  	[smem:$0x3F97] =	sst lr;
	_ =	strace $0xD0000000  }
0x3: {  	_ = 	snop  }
0x4: {  	_ = 	snop  }
0x5: {  	_ = 	snop  }
0x6: {  	_ = 	snop  }
0x7: {  	_ = 	snop  }
__scs_overlays_trampoline_lowered:
0x8: {  	[smem:$0x3FA6] =	sst s0  }
0x9: {  	[smem:$0x3FA7] =	sst s1  }
0xa: {  	[smem:$0x3FA8] =	sst s2  }
0xb: {  	[smem:$0x3FA9] =	sst s3  }
0xc: {  	[smem:$0x3FAA] =	sst s4  }
0xd: {  	[smem:$0x3FAB] =	sst s5  }
0xe: {  	[smem:$0x3FAC] =	sst s6  }
0xf: {  	[smem:$0x3FAD] =	sst s7  }
0x10: {  	[smem:$0x3FAE] =	sst s8  }
0x11: {  	[smem:$0x3FAF] =	sst s9;
	s0 =	simm.s32 @!p0 $0x0  }
0x12: {  	s1 =	sld [smem:$0x3F95];
	s0 =	simm.s32 @p0 $0x1  }
0x13: {  	[smem:$0x3FB0] =	sst s0;
	s0 =	simm.s32 @!p1 $0x0  }
0x14: {  	s2 =	sld [smem:$0x3F94];
	s0 =	simm.s32 @p1 $0x1  }
0x15: {  	[smem:$0x3FB1] =	sst s0;
	s0 =	simm.s32 @!p2 $0x0  }
0x16: {  	s3 =	sld [smem:$0x3FDB];
	s0 =	simm.s32 @p2 $0x1  }
0x17: {  	s4 =	simm.s32 $0x1BF5;
	[smem:$0x3FB3] =	sst s0  }
0x18: {  	s0 =	sld [smem:$0x3F96];
	_ =	swait.ge [sflag:s4], $0x0  }
0x19: {  	s7 =	sld [smem:$0x3F97]  }
0x1a: {  	s8 =	sadd.s32 $0xFFFFE003, lr  }
0x1b: {  	s9 =	sadd.s32 $0xFFFFFEF7, lr;
	s5 =	simm.s32 $0xFFFFFFFF;
	p2 =	slt.u32 s8, $0xFFFFF086  }
0x1c: {  	p1 =	slt.u32 s9, $0xF7A;
	s5 =	simm.s32 @!p2 $0x0  }
0x1d: {  	s5 =	simm.s32 @p1 $0x1;
	p0 =	seq.s32 s7, s2  }
0x1e: {  	s7 =	smul.u32 @!p0 $0xF7A, s2;
	p2 =	seq.s32 @!p0 s5, $0x0  }
0x1f: {  	s9 =	smul.u32 $0xF7A, s1;
	s8 =	simm.s32 @!p0 $0x1BF5;
	p2 =	por !p2, p0  }
0x20: {  	[sflag:s8] =	ssyncset.s32 @!p0 $0xFFFFF086;
	s6 =	sadd.s32 @!p0 s3, s7;
	s7 =	simm.s32 @!p0 $0x108  }
0x21: {  	s3 =	sadd.s32 s3, s9;
	s6 =	sadd.s32 @!p0 $0x88, s6;
	s7 =	simm.s32 @p2 $0x1082  }
0x22: {  	[simem:s7], [sflag:s8] =	dma.local @!p0 [hbm:s6], $0xF7A  }
0x23: {  	s9 =	sor.u32 $0xD0000000, s2;
	s6 =	simm.s32 $0x108;
	_ =	swait.ge @!p0 [sflag:s8], $0x0  }
0x24: {  	s3 =	sadd.s32 $0x88, s3;
	s6 =	simm.s32 @!p1 $0x1082;
	[sflag:s4] =	ssyncset.s32 $0xFFFFF086  }
0x25: {  	[simem:s6], [sflag:s4] =	dma.local [hbm:s3], $0xF7A  }
0x26: {  	[smem:$0x3F97] =	sst s1;
	(tag) =	ssettag s2;
	_ =	strace s9  }
0x27: {  	s1 =	sld [smem:$0x3FA7]  }
0x28: {  	s2 =	sld [smem:$0x3FA8]  }
0x29: {  	s4 =	sld [smem:$0x3FAA]  }
0x2a: {  	p0 =	seq.s32 s5, $0x0;
	s5 =	sld [smem:$0x3FAB]  }
0x2b: {  	s6 =	sld [smem:$0x3FAC]  }
0x2c: {  	s7 =	sld [smem:$0x3FAD]  }
0x2d: {  	s3 =	simm.s32 $0x108;
	s8 =	sld [smem:$0x3FAE]  }
0x2e: {  	s3 =	simm.s32 @!p0 $0x1082;
	s9 =	sld [smem:$0x3FAF]  }
0x2f: {  	lr =	sadd.s32 s0, s3;
	s0 =	sld [smem:$0x3FA6]  }
0x30: {  	s3 =	sld [smem:$0x3FA9]  }
0x31: {  	[smem:$0x3FB2] =	sst s10  }
0x32: {  	s10 =	sld [smem:$0x3FB0];
	_ =	sdelay $0x3  }
0x33: {  	p0 =	seq.s32 s10, $0x1;
	s10 =	sld [smem:$0x3FB2];
	_ =	sdelay $0x3  }
0x34: {  	[smem:$0x3FB2] =	sst s10  }
0x35: {  	s10 =	sld [smem:$0x3FB1];
	_ =	sdelay $0x3  }
0x36: {  	p1 =	seq.s32 s10, $0x1;
	s10 =	sld [smem:$0x3FB2];
	_ =	sdelay $0x3  }
0x37: {  	[smem:$0x3FB2] =	sst s10  }
0x38: {  	s10 =	sld [smem:$0x3FB3]  }
0x39: {  	_ = 	snop;
	(pc) =	sbr.ind lr, $3  }
0x3a: {  	_ = 	snop  }
0x3b: {  	_ = 	snop  }
0x3c: {  	p2 =	seq.s32 s10, $0x1;
	s10 =	sld [smem:$0x3FB2]  }
0x3d: {  	_ =	shalt  }
0x3e: {  	_ =	shalt  }
0x3f: {  	_ =	shalt  }
0x40: {  	_ =	shalt  }
0x41: {  	_ =	shalt  }
0x42: {  	_ =	shalt  }
0x43: {  	_ =	shalt  }
0x44: {  	_ =	shalt  }
0x45: {  	_ =	shalt  }
0x46: {  	_ =	shalt  }
0x47: {  	_ =	shalt  }
0x48: {  	_ =	shalt  }
0x49: {  	_ =	shalt  }
0x4a: {  	_ =	shalt  }
0x4b: {  	_ =	shalt  }
0x4c: {  	_ =	shalt  }
0x4d: {  	_ =	shalt  }
0x4e: {  	_ =	shalt  }
0x4f: {  	_ =	shalt  }
0x50: {  	_ =	shalt  }
0x51: {  	_ =	shalt  }
0x52: {  	_ =	shalt  }
0x53: {  	_ =	shalt  }
0x54: {  	_ =	shalt  }
0x55: {  	_ =	shalt  }
0x56: {  	_ =	shalt  }
0x57: {  	_ =	shalt  }
0x58: {  	_ =	shalt  }
0x59: {  	_ =	shalt  }
0x5a: {  	_ =	shalt  }
0x5b: {  	_ =	shalt  }
0x5c: {  	_ =	shalt  }
0x5d: {  	_ =	shalt  }
0x5e: {  	_ =	shalt  }
0x5f: {  	_ =	shalt  }
0x60: {  	_ =	shalt  }
0x61: {  	_ =	shalt  }
0x62: {  	_ =	shalt  }
0x63: {  	_ =	shalt  }
0x64: {  	_ =	shalt  }
0x65: {  	_ =	shalt  }
0x66: {  	_ =	shalt  }
0x67: {  	_ =	shalt  }
0x68: {  	_ =	shalt  }
0x69: {  	_ =	shalt  }
0x6a: {  	_ =	shalt  }
0x6b: {  	_ =	shalt  }
0x6c: {  	_ =	shalt  }
0x6d: {  	_ =	shalt  }
0x6e: {  	_ =	shalt  }
0x6f: {  	_ =	shalt  }
0x70: {  	_ =	shalt  }
0x71: {  	_ =	shalt  }
0x72: {  	_ =	shalt  }
0x73: {  	_ =	shalt  }
0x74: {  	_ =	shalt  }
0x75: {  	_ =	shalt  }
0x76: {  	_ =	shalt  }
0x77: {  	_ =	shalt  }
0x78: {  	_ =	shalt  }
0x79: {  	_ =	shalt  }
0x7a: {  	_ =	shalt  }
0x7b: {  	_ =	shalt  }
0x7c: {  	_ =	shalt  }
0x7d: {  	_ =	shalt  }
0x7e: {  	_ =	shalt  }
0x7f: {  	_ =	shalt  }
0x80: {  	_ =	shalt  }
0x81: {  	_ =	shalt  }
0x82: {  	_ =	shalt  }
0x83: {  	_ =	shalt  }
0x84: {  	_ =	shalt  }
0x85: {  	_ =	shalt  }
0x86: {  	_ =	shalt  }
0x87: {  	_ =	shalt  }
.Lfunc_end0:
.L_simem_size_0:
called_computation.2_lowered:
.L_overlay_start_0:
0x88: {  	s2 =	sld [smem:$0x3FD9]  }
0x89: {  	s3 =	sld [smem:$0x3FFE];
	_ =	sdelay $0x1  }
0x8a: {  	s1 =	srdreg.scid  }
0x8b: {  	s0 =	sand.u32 $0x1, s1  }
0x8c: {  	s17 =	sshll.u32 s0, $0xA;
	s2 =	sadd.s32 s3, s2  }
0x8d: {  	s2 =	sadd.s32 s2, s17  }
0x8e: {  	[smem:$0x3FBE] =	sst s2  }
0x8f: {  	_ = 	snop  }
0x90: {  	s2 =	sld [smem:$0x3FD0];
	(tm) =	ssettm $0x1  }
0x91: {  	s18 =	sld [smem:$0x3FFB];
	_ =	sdelay $0x3  }
0x92: {  	_ =	strace s18  }
0x93: {  	s3 =	sld [smem:$0x3FFC];
	_ =	sdelay $0x3  }
0x94: {  	_ =	strace s3  }
0x95: {  	s3 =	sld [smem:$0x3FFD];
	_ =	sdelay $0x3  }
0x96: {  	_ =	strace s3  }
0x97: {  	_ =	strace $0x8FFFFFFF  }
0x98: {  	s19 =	sld [smem:$0x3FDB];
	_ =	sdelay $0x1  }
0x99: {  	s4 =	simm.s32 $_scs_section_size  }
0x9a: {  	s5 =	simm.s32 $_size__tile_overlayer_lowered;
	s6 =	simm.s32 $_tile_overlayer_lowered  }
0x9b: {  	s22 =	simm.s32 $0x1BFF;
	s21 =	sshll.u32 s6, $0x1;
	s3 =	sadd.s32 s4, s19  }
0x9c: {  	s7 =	simm.s32 $0x0;
	s20 =	sshll.u32 s5, $0x1;
	s5 =	sadd.s32 s21, s3  }
0x9d: {  	[timem:s7], [sflag:s22] =	dma.local [hbm:s5], s20  }
0x9e: {  	_ =	swait.ge [sflag:s22], s20  }
0x9f: {  	s4 =	ssub.s32 $0x0, s20;
	[sflag:s22] =	ssyncset.done $0x0  }
0xa0: {  	[sflag:s22] =	ssyncadd.s32 s4;
	_ =	sdelay $0x1  }
0xa1: {  	s23 =	simm.s32 $0x1B8B  }
0xa2: {  	_ =	swait.ge [sflag:s23], $0x1  }
0xa3: {  	[sflag:s23] =	ssyncset.done $0x0  }
0xa4: {  	s25 =	simm.s32 $0x1B8E;
	s24 =	sld [smem:$0x3FFE];
	[sflag:s23] =	ssyncadd.s32 $0xFFFFFFFF  }
0xa5: {  	s26 =	simm.s32 $execute0_lowered;
	[smem:$0x3FD2] =	sst s25  }
0xa6: {  	s5 =	sshll.u32 s26, $0x1;
	_ =	strace $0x8000004C;
	[dreg:$0x1] =	wrdreg $0xFFFFFFFF  }
0xa7: {  	s28 =	simm.s32 $_size_execute0_lowered;
	s3 =	sadd.s32 s3, s5;
	[dreg:$0x0] =	wrdreg $0x0  }
0xa8: {  	s5 =	sshll.u32 s28, $0x1;
	[dreg:$0x2] =	wrdreg s3  }
0xa9: {  	[dreg:$0x3] =	wrdreg s5  }
0xaa: {  	[dreg:$0x4] =	wrdreg $0xC0  }
0xab: {  	_ =	task [dreg:s7], $0x5FFFF  }
0xac: {  	[dreg:$0x1] =	wrdreg $0xFFFFFFFF  }
0xad: {  	[dreg:$0x0] =	wrdreg $0x60  }
0xae: {  	[dreg:$0x2] =	wrdreg s2  }
0xaf: {  	[dreg:$0x3] =	wrdreg s24  }
0xb0: {  	[dreg:$0x4] =	wrdreg $0xA8000  }
0xb1: {  	[dreg:$0x5] =	wrdreg $0x9  }
0xb2: {  	_ =	task.clear_ibuf [dreg:s7], $0x6FFFF;
	_ =	strace $0x9000004C  }
0xb3: {  	s29 =	simm.s32 $0x9;
	_ =	strace $0x8000004E  }
0xb4: {  	_ =	swait.ge [sflag:s29], $0x1  }
0xb5: {  	[sflag:s29] =	ssyncadd.s32 $0xFFFFFFFF  }
0xb6: {  	_ =	strace $0x9000004E  }
0xb7: {  	_ =	sfence  }
0xb8: {  	s30 =	sld [smem:$0x0];
	_ =	sdelay $0x2  }
0xb9: {  	s31 =	sshll.u32 s1, $0xD;
	s1 =	sshrl.u32 s1, $0x2  }
0xba: {  	s3 =	sand.u32 $0x4000, s31;
	s1 =	sadd.s32 s1, s30  }
0xbb: {  	s0 =	sor.u32 s3, s0;
	s1 =	sshll.u32 s1, $0x11  }
0xbc: {  	s0 =	sor.u32 s1, s0  }
0xbd: {  	s0 =	sadd.s32 $0x8F2B, s0  }
0xbe: {  	[sflag:s0] =	ssyncadd.remote.s32 $0x1  }
0xbf: {  	_ =	sfence.sel $0xFFFF  }
0xc0: {  	[dreg:$0x0] =	wrdreg $0xFFFFFFFF;
	(pc) =	sbr.abs _section_cstart, $3  }
0xc1: {  	[dreg:$0x1] =	wrdreg $0xFFFFFFFF  }
0xc2: {  	_ =	task.clear_ibuf [dreg:s7], $0x2FFFF;
	_ =	strace $0x9FFFFFFF  }
0xc3: {  	(tm) =	ssettm $0x7FFFFFFF  }
tec
execute0_lowered:
.L_overlay_start_1:
0x0: {  	(tag) =	ssettag $0x1  }
0x1: {  	s2 =	rddreg [dreg:$0x0]  }
0x2: {  	s5 =	rddreg [dreg:$0x1]  }
0x3: {  	s3 =	rddreg [dreg:$0x2]  }
0x4: {  	s0 =	rddreg [dreg:$0x3]  }
0x5: {  	s1 =	stileid.u32;
	s4 =	simm.s32 $0x0;
	s7 =	srdreg.scid  }
0x6: {  	s17 =	simm.s32 $0x3;
	s18 =	simm.s32 $0x80;
	s19 =	simm.s32 $0x2800  }
0x7: {  	s20 =	simm.s32 $0x6800;
	s21 =	simm.s32 $0x1;
	s22 =	simm.s32 $0x2  }
0x8: {  	s23 =	simm.s32 $0x2700;
	s24 =	simm.s32 $0x2780;
	s25 =	simm.s32 $0x0  }
0x9: {  	s6 =	smul.u32 $0x13C00, s1;
	[smem:$0x7FF] =	sst s4;
	s7 =	sand.u32 $0x1, s7  }
0xa: {  	s10 =	sadd.s32 $0xCE00, s5;
	s11 =	sadd.s32 $0x2600, s5;
	s12 =	smul.u32 $0x4F000, s1  }
0xb: {  	s28 =	sshll.u32 s1, $0x1;
	_ =	strace $0x8000004D;
	s9 =	smul.u32 $0x13C000, s7  }
0xc: {  	s13 =	ssub.s32 $0x2, s7;
	s7 =	sor.u32 s7, s28;
	s8 =	sshrl.u32 s6, $0x3  }
0xd: {  	s29 =	sshrl.u32 s13, $0x1;
	s12 =	sshrl.u32 s12, $0x2;
	s14 =	smul.u32 $0x2800, s7  }
0xe: {  	s30 =	smul.u32 $0x500, s7;
	s8 =	sadd.s32 s8, s5;
	s6 =	sadd.s32 s6, s9  }
0xf: {  	s13 =	ssub.s32 s13, s29;
	s16 =	sadd.s32 s12, s3;
	s6 =	sshrl.u32 s6, $0x3  }
0x10: {  	s31 =	sshrl.u32 s14, $0x3;
	s9 =	sadd.s32 s11, s30;
	s13 =	smax.u32 s13, $0x1  }
0x11: {  	s14 =	sshrl.u32 s16, $0x3;
	s16 =	simm.s32 $0x1400;
	s15 =	sadd.s32 s6, s5  }
0x12: {  	s5 =	sshll.u32 s1, $0x6;
	s6 =	sadd.s32 $0x16E00, s8;
	s12 =	sadd.s32 $0x280, s31  }
0x13: {  	s8 =	sadd.s32 s10, s30;
	s7 =	sor.u32 $0x1C03, s5;
	s10 =	sadd.s32 s10, s12  }
0x14: {  	s11 =	sadd.s32 s11, s12;
	s12 =	sadd.s32 $0x3E600, s15;
	s15 =	simm.s32 $0x4  }
.LBB2_1:
0x15: {  	[spmem:s14], [sflag:s7] =	dma.local [hbm:s6], $0x2780  }
0x16: {  	[tilespmem:s4], [sflag:$0x4] =	stream.linear.gather [hbm4b:s8+s4], $0x1400, $0x38;
	[tilespmem:$0x1E400] =	vst v63  }
0x17: {  	_ =	swait.ge [sflag:s15], $0x1400  }
0x18: {  	[sflag:s15] =	ssyncset.done $0x0  }
0x19: {  	[sflag:s15] =	ssyncadd.s32 $0xFFFFEC00  }
0x1a: {  	[tilespmem:s16], [sflag:$0x4] =	stream.linear.gather [hbm4b:s9+s4], $0x1400, $0x38;
	[tilespmem:$0x1E400] =	vst v63  }
0x1b: {  	_ =	swait.ge [sflag:s15], $0x1400  }
0x1c: {  	[sflag:s15] =	ssyncset.done $0x0  }
0x1d: {  	[sflag:s15] =	ssyncadd.s32 $0xFFFFEC00  }
0x1e: {  	_ =	swait.ge [sflag:s17], $0x2780  }
0x1f: {  	[sflag:s17] =	ssyncset.done $0x0  }
0x20: {  	[sflag:s17] =	ssyncadd.s32 $0xFFFFD880  }
0x21: {  	[bflag:$0x0] =	sbarrier.arrive $0xFFFF  }
0x22: {  	[tilespmem:s19], [sflag:$0x1] =	stream.indirect.gather [hbm4b:s2+s18], $0x80, s4, s18, $0xb8;
	[tilespmem:$0x1E400] =	vst v63  }
0x23: {  	_ = 	snop  }
0x24: {  	[tilespmem:s20], [sflag:$0x2] =	stream.indirect.gather [hbm4b:s2+s18], $0x80, s18, s18, $0xb8;
	[tilespmem:$0x1E400] =	vst v63  }
0x25: {  	_ =	swait.ge [sflag:s21], $0x4000  }
0x26: {  	[sflag:s21] =	ssyncset.done $0x0  }
0x27: {  	s26 =	simm.s32 $0x1400;
	[sflag:s21] =	ssyncadd.s32 $0xFFFFC000  }
0x28: {  	[spmem:s3] =	stream.indirect.scatter.add.f32 [tilespmem:s19], [sflag:$0x4], $0x80, s26, s18, $0xb8;
	[tilespmem:$0x1E400] =	vst v63  }
0x29: {  	_ =	swait.ge [sflag:s15], $0x4000  }
0x2a: {  	[sflag:s15] =	ssyncset.done $0x0  }
0x2b: {  	s30 =	simm.s32 $0x100;
	[sflag:s15] =	ssyncadd.s32 $0xFFFFC000  }
0x2c: {  	[tilespmem:s19], [sflag:$0x1] =	stream.indirect.gather [hbm4b:s2+s18], $0x80, s30, s18, $0xb8;
	[tilespmem:$0x1E400] =	vst v63  }
0x2d: {  	_ =	swait.ge [sflag:s22], $0x4000  }
0x2e: {  	[sflag:s22] =	ssyncset.done $0x0  }
0x2f: {  	s31 =	simm.s32 $0x1480;
	[sflag:s22] =	ssyncadd.s32 $0xFFFFC000  }
0x30: {  	[spmem:s3] =	stream.indirect.scatter.add.f32 [tilespmem:s20], [sflag:$0x4], $0x80, s31, s18, $0xb8;
	[tilespmem:$0x1E400] =	vst v63  }
0x31: {  	_ =	swait.ge [sflag:s15], $0x4000  }
0x32: {  	[sflag:s15] =	ssyncset.done $0x0  }
0x33: {  	s28 =	simm.s32 $0x180;
	s26 =	simm.s32 $0x400;
	[sflag:s15] =	ssyncadd.s32 $0xFFFFC000  }
.LBB2_2:
0x34: {  	[tilespmem:s20], [sflag:$0x2] =	stream.indirect.gather [hbm4b:s2+s18], $0x80, s28, s18, $0xb8;
	[tilespmem:$0x1E400] =	vst v63  }
0x35: {  	s28 =	smov.u32 s26  }
0x36: {  	p0 =	sne.s32 s26, $0x4800;
	s26 =	sadd.s32 $0x400, s26;
	_ =	swait.ge [sflag:s21], $0x4000  }
0x37: {  	s28 =	sshra.s32 s28, $0x2;
	[sflag:s21] =	ssyncset.done $0x0  }
0x38: {  	s29 =	sadd.s32 $0x1400, s28;
	[sflag:s21] =	ssyncadd.s32 $0xFFFFC000  }
0x39: {  	[spmem:s3] =	stream.indirect.scatter.add.f32 [tilespmem:s19], [sflag:$0x4], $0x80, s29, s18, $0xb8;
	[tilespmem:$0x1E400] =	vst v63  }
0x3a: {  	_ =	swait.ge [sflag:s15], $0x4000  }
0x3b: {  	[sflag:s15] =	ssyncset.done $0x0  }
0x3c: {  	s29 =	sadd.s32 $0x100, s28;
	[sflag:s15] =	ssyncadd.s32 $0xFFFFC000  }
0x3d: {  	[tilespmem:s19], [sflag:$0x1] =	stream.indirect.gather [hbm4b:s2+s18], $0x80, s29, s18, $0xb8;
	[tilespmem:$0x1E400] =	vst v63  }
0x3e: {  	_ =	swait.ge [sflag:s22], $0x4000  }
0x3f: {  	[sflag:s22] =	ssyncset.done $0x0  }
.Ltmp0:
0x40: {  	s29 =	sadd.s32 $0x1480, s28;
	[sflag:s22] =	ssyncadd.s32 $0xFFFFC000;
	(pc) =	sbr.rel @p0 .LBB2_2-.Ltmp0, $4  }
0x41: {  	[spmem:s3] =	stream.indirect.scatter.add.f32 [tilespmem:s20], [sflag:$0x4], $0x80, s29, s18, $0xb8;
	[tilespmem:$0x1E400] =	vst v63  }
0x42: {  	_ =	swait.ge [sflag:s15], $0x4000  }
0x43: {  	[sflag:s15] =	ssyncset.done $0x0  }
0x44: {  	s28 =	sadd.s32 $0x180, s28;
	[sflag:s15] =	ssyncadd.s32 $0xFFFFC000  }
0x45: {  	[tilespmem:s20], [sflag:$0x2] =	stream.indirect.gather [hbm4b:s2+s18], $0x80, s28, s18, $0xb8;
	[tilespmem:$0x1E400] =	vst v63  }
0x46: {  	_ =	swait.ge [sflag:s21], $0x4000  }
0x47: {  	[sflag:s21] =	ssyncset.done $0x0  }
0x48: {  	[sflag:s21] =	ssyncadd.s32 $0xFFFFC000  }
0x49: {  	[spmem:s3] =	stream.indirect.scatter.add.f32 [tilespmem:s19], [sflag:$0x4], $0x80, s23, s18, $0xb8;
	[tilespmem:$0x1E400] =	vst v63  }
0x4a: {  	_ =	swait.ge [sflag:s15], $0x4000  }
0x4b: {  	[sflag:s15] =	ssyncset.done $0x0  }
0x4c: {  	[sflag:s15] =	ssyncadd.s32 $0xFFFFC000  }
0x4d: {  	_ =	swait.ge [sflag:s22], $0x4000  }
0x4e: {  	[sflag:s22] =	ssyncset.done $0x0  }
0x4f: {  	[sflag:s22] =	ssyncadd.s32 $0xFFFFC000  }
0x50: {  	[spmem:s3] =	stream.indirect.scatter.add.f32 [tilespmem:s20], [sflag:$0x4], $0x80, s24, s18, $0xb8;
	[tilespmem:$0x1E400] =	vst v63  }
0x51: {  	_ =	swait.ge [sflag:s15], $0x4000  }
0x52: {  	[sflag:s15] =	ssyncset.done $0x0  }
0x53: {  	s26 =	simm.s32 $0x0;
	[sflag:s15] =	ssyncadd.s32 $0xFFFFC000  }
0x54: {  	[tilespmem:s26], [sflag:$0x4] =	stream.linear.gather [hbm4b:s10+s26], $0x1400, $0x38;
	[tilespmem:$0x1E400] =	vst v63  }
0x55: {  	_ =	swait.ge [sflag:s15], $0x1400  }
0x56: {  	[sflag:s15] =	ssyncset.done $0x0  }
0x57: {  	[sflag:s15] =	ssyncadd.s32 $0xFFFFEC00  }
0x58: {  	[tilespmem:s16], [sflag:$0x4] =	stream.linear.gather [hbm4b:s11+s26], $0x1400, $0x38;
	[tilespmem:$0x1E400] =	vst v63  }
0x59: {  	_ =	swait.ge [sflag:s15], $0x1400  }
0x5a: {  	[sflag:s15] =	ssyncset.done $0x0  }
0x5b: {  	[sflag:s15] =	ssyncadd.s32 $0xFFFFEC00  }
0x5c: {  	[tilespmem:s19], [sflag:$0x1] =	stream.indirect.gather [hbm4b:s2+s18], $0x80, s26, s18, $0xb8;
	[tilespmem:$0x1E400] =	vst v63  }
0x5d: {  	_ = 	snop  }
0x5e: {  	[tilespmem:s20], [sflag:$0x2] =	stream.indirect.gather [hbm4b:s2+s18], $0x80, s18, s18, $0xb8;
	[tilespmem:$0x1E400] =	vst v63  }
0x5f: {  	_ =	swait.ge [sflag:s21], $0x4000  }
0x60: {  	[sflag:s21] =	ssyncset.done $0x0  }
0x61: {  	s29 =	simm.s32 $0x1400;
	[sflag:s21] =	ssyncadd.s32 $0xFFFFC000  }
0x62: {  	[spmem:s3] =	stream.indirect.scatter.add.f32 [tilespmem:s19], [sflag:$0x4], $0x80, s29, s18, $0xb8;
	[tilespmem:$0x1E400] =	vst v63  }
0x63: {  	_ =	swait.ge [sflag:s15], $0x4000  }
0x64: {  	[sflag:s15] =	ssyncset.done $0x0  }
0x65: {  	s30 =	simm.s32 $0x100;
	[sflag:s15] =	ssyncadd.s32 $0xFFFFC000  }
0x66: {  	[tilespmem:s19], [sflag:$0x1] =	stream.indirect.gather [hbm4b:s2+s18], $0x80, s30, s18, $0xb8;
	[tilespmem:$0x1E400] =	vst v63  }
0x67: {  	_ =	swait.ge [sflag:s22], $0x4000  }
0x68: {  	[sflag:s22] =	ssyncset.done $0x0  }
0x69: {  	s31 =	simm.s32 $0x1480;
	[sflag:s22] =	ssyncadd.s32 $0xFFFFC000  }
0x6a: {  	[spmem:s3] =	stream.indirect.scatter.add.f32 [tilespmem:s20], [sflag:$0x4], $0x80, s31, s18, $0xb8;
	[tilespmem:$0x1E400] =	vst v63  }
0x6b: {  	_ =	swait.ge [sflag:s15], $0x4000  }
0x6c: {  	[sflag:s15] =	ssyncset.done $0x0  }
0x6d: {  	s28 =	simm.s32 $0x180;
	s26 =	simm.s32 $0x400;
	[sflag:s15] =	ssyncadd.s32 $0xFFFFC000  }
.LBB2_4:
0x6e: {  	[tilespmem:s20], [sflag:$0x2] =	stream.indirect.gather [hbm4b:s2+s18], $0x80, s28, s18, $0xb8;
	[tilespmem:$0x1E400] =	vst v63  }
0x6f: {  	s28 =	smov.u32 s26  }
0x70: {  	p0 =	sne.s32 s26, $0x4800;
	s26 =	sadd.s32 $0x400, s26;
	_ =	swait.ge [sflag:s21], $0x4000  }
0x71: {  	s28 =	sshra.s32 s28, $0x2;
	[sflag:s21] =	ssyncset.done $0x0  }
0x72: {  	s29 =	sadd.s32 $0x1400, s28;
	[sflag:s21] =	ssyncadd.s32 $0xFFFFC000  }
0x73: {  	[spmem:s3] =	stream.indirect.scatter.add.f32 [tilespmem:s19], [sflag:$0x4], $0x80, s29, s18, $0xb8;
	[tilespmem:$0x1E400] =	vst v63  }
0x74: {  	_ =	swait.ge [sflag:s15], $0x4000  }
0x75: {  	[sflag:s15] =	ssyncset.done $0x0  }
0x76: {  	s29 =	sadd.s32 $0x100, s28;
	[sflag:s15] =	ssyncadd.s32 $0xFFFFC000  }
0x77: {  	[tilespmem:s19], [sflag:$0x1] =	stream.indirect.gather [hbm4b:s2+s18], $0x80, s29, s18, $0xb8;
	[tilespmem:$0x1E400] =	vst v63  }
0x78: {  	_ =	swait.ge [sflag:s22], $0x4000  }
0x79: {  	[sflag:s22] =	ssyncset.done $0x0  }
.Ltmp1:
0x7a: {  	s29 =	sadd.s32 $0x1480, s28;
	[sflag:s22] =	ssyncadd.s32 $0xFFFFC000;
	(pc) =	sbr.rel @p0 .LBB2_4-.Ltmp1, $4  }
0x7b: {  	[spmem:s3] =	stream.indirect.scatter.add.f32 [tilespmem:s20], [sflag:$0x4], $0x80, s29, s18, $0xb8;
	[tilespmem:$0x1E400] =	vst v63  }
0x7c: {  	_ =	swait.ge [sflag:s15], $0x4000  }
0x7d: {  	[sflag:s15] =	ssyncset.done $0x0  }
0x7e: {  	s28 =	sadd.s32 $0x180, s28;
	[sflag:s15] =	ssyncadd.s32 $0xFFFFC000  }
0x7f: {  	[tilespmem:s20], [sflag:$0x2] =	stream.indirect.gather [hbm4b:s2+s18], $0x80, s28, s18, $0xb8;
	[tilespmem:$0x1E400] =	vst v63  }
0x80: {  	_ =	swait.ge [sflag:s21], $0x4000  }
0x81: {  	[sflag:s21] =	ssyncset.done $0x0  }
0x82: {  	[sflag:s21] =	ssyncadd.s32 $0xFFFFC000  }
0x83: {  	[spmem:s3] =	stream.indirect.scatter.add.f32 [tilespmem:s19], [sflag:$0x4], $0x80, s23, s18, $0xb8;
	[tilespmem:$0x1E400] =	vst v63  }
0x84: {  	_ =	swait.ge [sflag:s15], $0x4000  }
0x85: {  	[sflag:s15] =	ssyncset.done $0x0  }
0x86: {  	[sflag:s15] =	ssyncadd.s32 $0xFFFFC000  }
0x87: {  	_ =	swait.ge [sflag:s22], $0x4000  }
0x88: {  	[sflag:s22] =	ssyncset.done $0x0  }
0x89: {  	[sflag:s22] =	ssyncadd.s32 $0xFFFFC000  }
0x8a: {  	[spmem:s3] =	stream.indirect.scatter.add.f32 [tilespmem:s20], [sflag:$0x4], $0x80, s24, s18, $0xb8;
	[tilespmem:$0x1E400] =	vst v63  }
0x8b: {  	_ =	swait.ge [sflag:s15], $0x4000  }
0x8c: {  	s25 =	sadd.s32 $0x1, s25;
	[sflag:s15] =	ssyncset.done $0x0  }
0x8d: {  	p0 =	sne.s32 s25, s13;
	[sflag:s15] =	ssyncadd.s32 $0xFFFFC000  }
.Ltmp2:
0x8e: {  	s26 =	sor.u32 $0x1C04, s5;
	[bflag:$0x0] =	sbarrier.arrive $0xFFFF;
	(pc) =	sbr.rel @p0 .LBB2_1-.Ltmp2, $4  }
0x8f: {  	[hbm:s12], [sflag:s26] =	dma.local [spmem:s14], $0x2780  }
0x90: {  	_ =	swait.ge [sflag:s15], $0x2780  }
0x91: {  	[sflag:s15] =	ssyncset.done $0x0  }
0x92: {  	[sflag:s15] =	ssyncadd.s32 $0xFFFFD880  }
0x93: {  	_ =	sfence.sel $0x180000  }
0x94: {  	[bflag:$0x0] =	sbarrier.arrive $0xFFFF  }
0x95: {  	p0 =	sne.s32 s1, $0x0;
	_ =	strace $0x9000004D  }
0x96: {  	s0 =	sadd.s32 @!p0 $0x100000, s0;
	[bflag:$0x2] =	sbarrier.arrive $0xFFFF  }
0x97: {  	[sflag:s0] =	ssyncadd.tile.s32 @!p0 $0x1;
	_ =	shalt  }
.Lfunc_end2:
_tile_overlayer_lowered:
.L_overlay_start_2:
0x98: {  	(tag) =	ssettag $0x2  }
0x99: {  	s0 =	rddreg [dreg:$0x0];
	s2 =	stileid.u32  }
0x9a: {  	s1 =	rddreg [dreg:$0x1];
	p0 =	sne.s32 s2, $0x0  }
0x9b: {  	s3 =	rddreg [dreg:$0x2];
	[bflag:$0x3] =	sbarrier.arrive $0xFFFF;
	s2 =	simm.s32 @!p0 $0x1C04  }
0x9c: {  	[timem:s3], [sflag:s2] =	dma.local @!p0 [hbm:s0], s1  }
0x9d: {  	s0 =	simm.s32 @!p0 $0x4  }
0x9e: {  	_ =	swait.ge @!p0 [sflag:s0], s1  }
0x9f: {  	s1 =	ssub.s32 @!p0 $0x0, s1;
	[sflag:s0] =	ssyncset.done @!p0 $0x0  }
0xa0: {  	[sflag:s0] =	ssyncadd.s32 @!p0 s1  }
0xa1: {  	[bflag:$0x3] =	sbarrier.arrive $0xFFFF  }
0xa2: {  	_ =	shalt  }

// kernel: kernel.8.cloned.1.call-start
scs
__scs_entry_jumppad:
0x0: {  	(pc) =	sbr.rel $0x88, $3  }
0x1: {  	(tag) =	ssettag $0x0;
	lr =	simm.s32 $0x1  }
0x2: {  	[smem:$0x3F97] =	sst lr;
	_ =	strace $0xD0000000  }
0x3: {  	_ = 	snop  }
0x4: {  	_ = 	snop  }
0x5: {  	_ = 	snop  }
0x6: {  	_ = 	snop  }
0x7: {  	_ = 	snop  }
__scs_overlays_trampoline_lowered:
0x8: {  	[smem:$0x3FA6] =	sst s0  }
0x9: {  	[smem:$0x3FA7] =	sst s1  }
0xa: {  	[smem:$0x3FA8] =	sst s2  }
0xb: {  	[smem:$0x3FA9] =	sst s3  }
0xc: {  	[smem:$0x3FAA] =	sst s4  }
0xd: {  	[smem:$0x3FAB] =	sst s5  }
0xe: {  	[smem:$0x3FAC] =	sst s6  }
0xf: {  	[smem:$0x3FAD] =	sst s7  }
0x10: {  	[smem:$0x3FAE] =	sst s8  }
0x11: {  	[smem:$0x3FAF] =	sst s9;
	s0 =	simm.s32 @!p0 $0x0  }
0x12: {  	s1 =	sld [smem:$0x3F95];
	s0 =	simm.s32 @p0 $0x1  }
0x13: {  	[smem:$0x3FB0] =	sst s0;
	s0 =	simm.s32 @!p1 $0x0  }
0x14: {  	s2 =	sld [smem:$0x3F94];
	s0 =	simm.s32 @p1 $0x1  }
0x15: {  	[smem:$0x3FB1] =	sst s0;
	s0 =	simm.s32 @!p2 $0x0  }
0x16: {  	s3 =	sld [smem:$0x3FDB];
	s0 =	simm.s32 @p2 $0x1  }
0x17: {  	s4 =	simm.s32 $0x1BF5;
	[smem:$0x3FB3] =	sst s0  }
0x18: {  	s0 =	sld [smem:$0x3F96];
	_ =	swait.ge [sflag:s4], $0x0  }
0x19: {  	s7 =	sld [smem:$0x3F97]  }
0x1a: {  	s8 =	sadd.s32 $0xFFFFE003, lr  }
0x1b: {  	s9 =	sadd.s32 $0xFFFFFEF7, lr;
	s5 =	simm.s32 $0xFFFFFFFF;
	p2 =	slt.u32 s8, $0xFFFFF086  }
0x1c: {  	p1 =	slt.u32 s9, $0xF7A;
	s5 =	simm.s32 @!p2 $0x0  }
0x1d: {  	s5 =	simm.s32 @p1 $0x1;
	p0 =	seq.s32 s7, s2  }
0x1e: {  	s7 =	smul.u32 @!p0 $0xF7A, s2;
	p2 =	seq.s32 @!p0 s5, $0x0  }
0x1f: {  	s9 =	smul.u32 $0xF7A, s1;
	s8 =	simm.s32 @!p0 $0x1BF5;
	p2 =	por !p2, p0  }
0x20: {  	[sflag:s8] =	ssyncset.s32 @!p0 $0xFFFFF086;
	s6 =	sadd.s32 @!p0 s3, s7;
	s7 =	simm.s32 @!p0 $0x108  }
0x21: {  	s3 =	sadd.s32 s3, s9;
	s6 =	sadd.s32 @!p0 $0x88, s6;
	s7 =	simm.s32 @p2 $0x1082  }
0x22: {  	[simem:s7], [sflag:s8] =	dma.local @!p0 [hbm:s6], $0xF7A  }
0x23: {  	s9 =	sor.u32 $0xD0000000, s2;
	s6 =	simm.s32 $0x108;
	_ =	swait.ge @!p0 [sflag:s8], $0x0  }
0x24: {  	s3 =	sadd.s32 $0x88, s3;
	s6 =	simm.s32 @!p1 $0x1082;
	[sflag:s4] =	ssyncset.s32 $0xFFFFF086  }
0x25: {  	[simem:s6], [sflag:s4] =	dma.local [hbm:s3], $0xF7A  }
0x26: {  	[smem:$0x3F97] =	sst s1;
	(tag) =	ssettag s2;
	_ =	strace s9  }
0x27: {  	s1 =	sld [smem:$0x3FA7]  }
0x28: {  	s2 =	sld [smem:$0x3FA8]  }
0x29: {  	s4 =	sld [smem:$0x3FAA]  }
0x2a: {  	p0 =	seq.s32 s5, $0x0;
	s5 =	sld [smem:$0x3FAB]  }
0x2b: {  	s6 =	sld [smem:$0x3FAC]  }
0x2c: {  	s7 =	sld [smem:$0x3FAD]  }
0x2d: {  	s3 =	simm.s32 $0x108;
	s8 =	sld [smem:$0x3FAE]  }
0x2e: {  	s3 =	simm.s32 @!p0 $0x1082;
	s9 =	sld [smem:$0x3FAF]  }
0x2f: {  	lr =	sadd.s32 s0, s3;
	s0 =	sld [smem:$0x3FA6]  }
0x30: {  	s3 =	sld [smem:$0x3FA9]  }
0x31: {  	[smem:$0x3FB2] =	sst s10  }
0x32: {  	s10 =	sld [smem:$0x3FB0];
	_ =	sdelay $0x3  }
0x33: {  	p0 =	seq.s32 s10, $0x1;
	s10 =	sld [smem:$0x3FB2];
	_ =	sdelay $0x3  }
0x34: {  	[smem:$0x3FB2] =	sst s10  }
0x35: {  	s10 =	sld [smem:$0x3FB1];
	_ =	sdelay $0x3  }
0x36: {  	p1 =	seq.s32 s10, $0x1;
	s10 =	sld [smem:$0x3FB2];
	_ =	sdelay $0x3  }
0x37: {  	[smem:$0x3FB2] =	sst s10  }
0x38: {  	s10 =	sld [smem:$0x3FB3]  }
0x39: {  	_ = 	snop;
	(pc) =	sbr.ind lr, $3  }
0x3a: {  	_ = 	snop  }
0x3b: {  	_ = 	snop  }
0x3c: {  	p2 =	seq.s32 s10, $0x1;
	s10 =	sld [smem:$0x3FB2]  }
0x3d: {  	_ =	shalt  }
0x3e: {  	_ =	shalt  }
0x3f: {  	_ =	shalt  }
0x40: {  	_ =	shalt  }
0x41: {  	_ =	shalt  }
0x42: {  	_ =	shalt  }
0x43: {  	_ =	shalt  }
0x44: {  	_ =	shalt  }
0x45: {  	_ =	shalt  }
0x46: {  	_ =	shalt  }
0x47: {  	_ =	shalt  }
0x48: {  	_ =	shalt  }
0x49: {  	_ =	shalt  }
0x4a: {  	_ =	shalt  }
0x4b: {  	_ =	shalt  }
0x4c: {  	_ =	shalt  }
0x4d: {  	_ =	shalt  }
0x4e: {  	_ =	shalt  }
0x4f: {  	_ =	shalt  }
0x50: {  	_ =	shalt  }
0x51: {  	_ =	shalt  }
0x52: {  	_ =	shalt  }
0x53: {  	_ =	shalt  }
0x54: {  	_ =	shalt  }
0x55: {  	_ =	shalt  }
0x56: {  	_ =	shalt  }
0x57: {  	_ =	shalt  }
0x58: {  	_ =	shalt  }
0x59: {  	_ =	shalt  }
0x5a: {  	_ =	shalt  }
0x5b: {  	_ =	shalt  }
0x5c: {  	_ =	shalt  }
0x5d: {  	_ =	shalt  }
0x5e: {  	_ =	shalt  }
0x5f: {  	_ =	shalt  }
0x60: {  	_ =	shalt  }
0x61: {  	_ =	shalt  }
0x62: {  	_ =	shalt  }
0x63: {  	_ =	shalt  }
0x64: {  	_ =	shalt  }
0x65: {  	_ =	shalt  }
0x66: {  	_ =	shalt  }
0x67: {  	_ =	shalt  }
0x68: {  	_ =	shalt  }
0x69: {  	_ =	shalt  }
0x6a: {  	_ =	shalt  }
0x6b: {  	_ =	shalt  }
0x6c: {  	_ =	shalt  }
0x6d: {  	_ =	shalt  }
0x6e: {  	_ =	shalt  }
0x6f: {  	_ =	shalt  }
0x70: {  	_ =	shalt  }
0x71: {  	_ =	shalt  }
0x72: {  	_ =	shalt  }
0x73: {  	_ =	shalt  }
0x74: {  	_ =	shalt  }
0x75: {  	_ =	shalt  }
0x76: {  	_ =	shalt  }
0x77: {  	_ =	shalt  }
0x78: {  	_ =	shalt  }
0x79: {  	_ =	shalt  }
0x7a: {  	_ =	shalt  }
0x7b: {  	_ =	shalt  }
0x7c: {  	_ =	shalt  }
0x7d: {  	_ =	shalt  }
0x7e: {  	_ =	shalt  }
0x7f: {  	_ =	shalt  }
0x80: {  	_ =	shalt  }
0x81: {  	_ =	shalt  }
0x82: {  	_ =	shalt  }
0x83: {  	_ =	shalt  }
0x84: {  	_ =	shalt  }
0x85: {  	_ =	shalt  }
0x86: {  	_ =	shalt  }
0x87: {  	_ =	shalt  }
.Lfunc_end0:
.L_simem_size_0:
called_computation_lowered:
.L_overlay_start_0:
0x88: {  	s2 =	sld [smem:$0x3FD9]  }
0x89: {  	s3 =	sld [smem:$0x3FFE];
	_ =	sdelay $0x1  }
0x8a: {  	s1 =	srdreg.scid  }
0x8b: {  	s0 =	sand.u32 $0x1, s1  }
0x8c: {  	s17 =	sshll.u32 s0, $0xA;
	s2 =	sadd.s32 s3, s2  }
0x8d: {  	s2 =	sadd.s32 s2, s17  }
0x8e: {  	[smem:$0x3FBE] =	sst s2  }
0x8f: {  	_ = 	snop  }
0x90: {  	s2 =	sld [smem:$0x3FD0];
	(tm) =	ssettm $0x1  }
0x91: {  	s18 =	sld [smem:$0x3FFB];
	_ =	sdelay $0x3  }
0x92: {  	_ =	strace s18  }
0x93: {  	s3 =	sld [smem:$0x3FFC];
	_ =	sdelay $0x3  }
0x94: {  	_ =	strace s3  }
0x95: {  	s3 =	sld [smem:$0x3FFD];
	_ =	sdelay $0x3  }
0x96: {  	_ =	strace s3  }
0x97: {  	_ =	strace $0x8FFFFFFF  }
0x98: {  	s19 =	sld [smem:$0x3FDB];
	_ =	sdelay $0x1  }
0x99: {  	s4 =	simm.s32 $_scs_section_size  }
0x9a: {  	s5 =	simm.s32 $_size__tile_overlayer_lowered;
	s6 =	simm.s32 $_tile_overlayer_lowered  }
0x9b: {  	s22 =	simm.s32 $0x1BFF;
	s21 =	sshll.u32 s6, $0x1;
	s3 =	sadd.s32 s4, s19  }
0x9c: {  	s7 =	simm.s32 $0x0;
	s20 =	sshll.u32 s5, $0x1;
	s5 =	sadd.s32 s21, s3  }
0x9d: {  	[timem:s7], [sflag:s22] =	dma.local [hbm:s5], s20  }
0x9e: {  	_ =	swait.ge [sflag:s22], s20  }
0x9f: {  	s4 =	ssub.s32 $0x0, s20;
	[sflag:s22] =	ssyncset.done $0x0  }
0xa0: {  	[sflag:s22] =	ssyncadd.s32 s4;
	_ =	sdelay $0x1  }
0xa1: {  	s23 =	simm.s32 $0x1B8B  }
0xa2: {  	_ =	swait.ge [sflag:s23], $0x1  }
0xa3: {  	[sflag:s23] =	ssyncset.done $0x0  }
0xa4: {  	s25 =	simm.s32 $0x1B8E;
	s24 =	sld [smem:$0x3FFE];
	[sflag:s23] =	ssyncadd.s32 $0xFFFFFFFF  }
0xa5: {  	s26 =	simm.s32 $execute0_lowered;
	[smem:$0x3FD2] =	sst s25  }
0xa6: {  	s5 =	sshll.u32 s26, $0x1;
	_ =	strace $0x80000046;
	[dreg:$0x1] =	wrdreg $0xFFFFFFFF  }
0xa7: {  	s28 =	simm.s32 $_size_execute0_lowered;
	s3 =	sadd.s32 s3, s5;
	[dreg:$0x0] =	wrdreg $0x0  }
0xa8: {  	s5 =	sshll.u32 s28, $0x1;
	[dreg:$0x2] =	wrdreg s3  }
0xa9: {  	[dreg:$0x3] =	wrdreg s5  }
0xaa: {  	[dreg:$0x4] =	wrdreg $0xC0  }
0xab: {  	_ =	task [dreg:s7], $0x5FFFF  }
0xac: {  	[dreg:$0x1] =	wrdreg $0xFFFFFFFF  }
0xad: {  	[dreg:$0x0] =	wrdreg $0x60  }
0xae: {  	[dreg:$0x2] =	wrdreg s24  }
0xaf: {  	[dreg:$0x3] =	wrdreg s2  }
0xb0: {  	[dreg:$0x4] =	wrdreg $0x28800  }
0xb1: {  	[dreg:$0x5] =	wrdreg $0x9  }
0xb2: {  	_ =	task.clear_ibuf [dreg:s7], $0x6FFFF;
	_ =	strace $0x90000046  }
0xb3: {  	s29 =	simm.s32 $0x9;
	_ =	strace $0x80000048  }
0xb4: {  	_ =	swait.ge [sflag:s29], $0x1  }
0xb5: {  	[sflag:s29] =	ssyncadd.s32 $0xFFFFFFFF  }
0xb6: {  	_ =	strace $0x90000048  }
0xb7: {  	_ =	sfence  }
0xb8: {  	s30 =	sld [smem:$0x0];
	_ =	sdelay $0x2  }
0xb9: {  	s31 =	sshll.u32 s1, $0xD;
	s1 =	sshrl.u32 s1, $0x2  }
0xba: {  	s3 =	sand.u32 $0x4000, s31;
	s1 =	sadd.s32 s1, s30  }
0xbb: {  	s0 =	sor.u32 s3, s0;
	s1 =	sshll.u32 s1, $0x11  }
0xbc: {  	s0 =	sor.u32 s1, s0  }
0xbd: {  	s0 =	sadd.s32 $0x8F2B, s0  }
0xbe: {  	[sflag:s0] =	ssyncadd.remote.s32 $0x1  }
0xbf: {  	_ =	sfence.sel $0xFFFF  }
0xc0: {  	[dreg:$0x0] =	wrdreg $0xFFFFFFFF;
	(pc) =	sbr.abs _section_cstart, $3  }
0xc1: {  	[dreg:$0x1] =	wrdreg $0xFFFFFFFF  }
0xc2: {  	_ =	task.clear_ibuf [dreg:s7], $0x2FFFF;
	_ =	strace $0x9FFFFFFF  }
0xc3: {  	(tm) =	ssettm $0x7FFFFFFF  }
tec
execute0_lowered:
.L_overlay_start_1:
0x0: {  	(tag) =	ssettag $0x1  }
0x1: {  	s4 =	rddreg [dreg:$0x0]  }
0x2: {  	s6 =	rddreg [dreg:$0x1];
	s0 =	srdreg.scid  }
0x3: {  	s7 =	stileid.u32;
	s1 =	rddreg [dreg:$0x2]  }
0x4: {  	s2 =	simm.s32 $0x0;
	s11 =	simm.s32 $0x80;
	s12 =	simm.s32 $0x0  }
0x5: {  	s3 =	sand.u32 $0x1, s0;
	s5 =	sshll.u32 s7, $0x1;
	s0 =	rddreg [dreg:$0x3]  }
0x6: {  	[smem:$0x7FF] =	sst s2;
	p0 =	sne.s32 s7, $0x0;
	s5 =	sor.u32 s3, s5  }
0x7: {  	_ =	strace $0x80000047;
	s8 =	ssub.s32 $0x2, s3;
	s10 =	smul.u32 $0x4F0, s3  }
0x8: {  	s3 =	sadd.s32 $0xC800, s4;
	s5 =	smul.u32 $0x500, s5;
	s9 =	sshrl.u32 s8, $0x1  }
0x9: {  	s8 =	ssub.s32 s8, s9;
	s6 =	sadd.s32 s6, s10;
	s9 =	simm.s32 $0x1  }
0xa: {  	s10 =	simm.s32 $0x2800;
	s5 =	sadd.s32 s5, s4;
	s4 =	sadd.s32 $0xC600, s4  }
0xb: {  	s7 =	smax.u32 s8, $0x1;
	s8 =	sshrl.u32 @!p0 s1, $0x3;
	s5 =	sadd.s32 $0x2600, s5  }
.LBB2_1:
0xc: {  	s13 =	simm.s32 @!p0 $0x1C01  }
0xd: {  	[spmem:s8], [sflag:s13] =	dma.local @!p0 [hbm:s3], $0x4F0  }
0xe: {  	s13 =	simm.s32 @!p0 $0x1  }
0xf: {  	_ =	swait.ge @!p0 [sflag:s13], $0x4F0  }
0x10: {  	[sflag:s13] =	ssyncset.done @!p0 $0x0  }
0x11: {  	[sflag:s13] =	ssyncadd.s32 @!p0 $0xFFFFFB10  }
0x12: {  	[tilespmem:s2], [sflag:$0x1] =	stream.linear.gather [hbm4b:s5+s2], $0x2800, $0x38;
	[tilespmem:$0x2AF8] =	vst v63  }
0x13: {  	_ =	swait.ge [sflag:s9], $0x2800  }
0x14: {  	[sflag:s9] =	ssyncset.done $0x0  }
0x15: {  	[sflag:s9] =	ssyncadd.s32 $0xFFFFD800  }
0x16: {  	[tilespmem:s10], [sflag:$0x1] =	stream.linear.gather [hbm4b:s4+s2], $0x80, $0x38;
	[tilespmem:$0x2AF8] =	vst v63  }
0x17: {  	_ =	swait.ge [sflag:s9], $0x80  }
0x18: {  	[sflag:s9] =	ssyncset.done $0x0  }
0x19: {  	[sflag:s9] =	ssyncadd.s32 $0xFFFFFF80  }
0x1a: {  	s31 =	simm.s32 $0x0;
	[bflag:$0x0] =	sbarrier.arrive $0xFFFF  }
0x1b: {  	[spmem:s1] =	stream.indirect.scatter.add.f32 [tilespmem:s10], [sflag:$0x1], $0x1, s31, s11, $0xb8;
	[tilespmem:$0x2AF8] =	vst v63  }
0x1c: {  	_ =	swait.ge [sflag:s9], $0x80  }
0x1d: {  	s13 =	simm.s32 $0x200;
	[sflag:s9] =	ssyncset.done $0x0  }
.LBB2_2:
0x1e: {  	s14 =	sshra.s32 s13, $0x2;
	[sflag:s9] =	ssyncadd.s32 $0xFFFFFF80;
	p1 =	sne.s32 s13, $0x9E00  }
0x1f: {  	[spmem:s1] =	stream.indirect.scatter.add.f32 [tilespmem:s10], [sflag:$0x1], $0x1, s14, s11, $0xb8;
	[tilespmem:$0x2AF8] =	vst v63  }
.Ltmp0:
0x20: {  	_ = 	snop;
	(pc) =	sbr.rel @p1 .LBB2_2-.Ltmp0, $4  }
0x21: {  	_ = 	snop  }
0x22: {  	s13 =	sadd.s32 $0x200, s13  }
0x23: {  	_ =	swait.ge [sflag:s9], $0x80  }
0x24: {  	[sflag:s9] =	ssyncset.done $0x0  }
0x25: {  	[sflag:s9] =	ssyncadd.s32 $0xFFFFFF80;
	s12 =	sadd.s32 $0x1, s12  }
0x26: {  	s13 =	simm.s32 @!p0 $0x1C01;
	[bflag:$0x0] =	sbarrier.arrive $0xFFFF;
	p1 =	sne.s32 s12, s7  }
0x27: {  	[hbm:s6], [sflag:s13] =	dma.local @!p0 [spmem:s8], $0x4F0  }
.Ltmp1:
0x28: {  	_ = 	snop;
	(pc) =	sbr.rel @p1 .LBB2_1-.Ltmp1, $4  }
0x29: {  	s13 =	simm.s32 @!p0 $0x1  }
0x2a: {  	_ =	swait.ge @!p0 [sflag:s13], $0x4F0  }
0x2b: {  	[sflag:s13] =	ssyncset.done @!p0 $0x0  }
0x2c: {  	[sflag:s13] =	ssyncadd.s32 @!p0 $0xFFFFFB10  }
0x2d: {  	_ =	sfence.sel $0x180000  }
0x2e: {  	[bflag:$0x0] =	sbarrier.arrive $0xFFFF  }
0x2f: {  	_ =	strace $0x90000047  }
0x30: {  	s0 =	sadd.s32 @!p0 $0x100000, s0;
	[bflag:$0x2] =	sbarrier.arrive $0xFFFF  }
0x31: {  	[sflag:s0] =	ssyncadd.tile.s32 @!p0 $0x1;
	_ =	shalt  }
.Lfunc_end2:
_tile_overlayer_lowered:
.L_overlay_start_2:
0x32: {  	(tag) =	ssettag $0x2  }
0x33: {  	s0 =	rddreg [dreg:$0x0];
	s2 =	stileid.u32  }
0x34: {  	s1 =	rddreg [dreg:$0x1];
	p0 =	sne.s32 s2, $0x0  }
0x35: {  	s3 =	rddreg [dreg:$0x2];
	[bflag:$0x3] =	sbarrier.arrive $0xFFFF;
	s2 =	simm.s32 @!p0 $0x1C01  }
0x36: {  	[timem:s3], [sflag:s2] =	dma.local @!p0 [hbm:s0], s1  }
0x37: {  	s0 =	simm.s32 @!p0 $0x1  }
0x38: {  	_ =	swait.ge @!p0 [sflag:s0], s1  }
0x39: {  	s1 =	ssub.s32 @!p0 $0x0, s1;
	[sflag:s0] =	ssyncset.done @!p0 $0x0  }
0x3a: {  	[sflag:s0] =	ssyncadd.s32 @!p0 s1  }
0x3b: {  	[bflag:$0x3] =	sbarrier.arrive $0xFFFF  }
0x3c: {  	_ =	shalt  }

</sc_bundles>
